<compile_context>
chip_gen: v7x
topology: tpu7x:2x2x1
jax: 0.10.2.dev20260603
libtpu: 0.0.44.dev20260713+nightly
codegen_flags: <defaults>
</compile_context>

<pallas_src>
import functools

import jax
import jax.numpy as jnp
from jax import lax
from jax.experimental import pallas as pl
from jax.experimental.pallas import tpu as pltpu
from jax.experimental.pallas import tpu_sc as plsc

N = 10000
E = 320000
K = 80
NC, NS = 2, 16
NW = NC * NS
CPW = E // K // NW
RF = 632
RL = N - (NS - 1) * RF


def _sc_mesh():
    return plsc.VectorSubcoreMesh(core_axis_name="c", subcore_axis_name="s")


def _deg_call(dst3, zeros):
    @functools.partial(
        pl.kernel,
        out_type=jax.ShapeDtypeStruct((NW * N,), jnp.float32),
        mesh=_sc_mesh(),
        compiler_params=pltpu.CompilerParams(needs_layout_passes=False),
        scratch_types=[
            pltpu.VMEM((CPW, K), jnp.int32),
            pltpu.VMEM((N,), jnp.float32),
        ],
    )
    def deg(dst_hbm, zeros_hbm, out_hbm, idx_v, deg_v):
        c = lax.axis_index("c")
        s = lax.axis_index("s")
        wid = s * NC + c
        def zero(i, carry):
            deg_v[pl.ds(i * 16, 16)] = jnp.zeros((16,), jnp.float32)
            return carry
        lax.fori_loop(0, N // 16, zero, 0)
        pltpu.sync_copy(dst_hbm.at[wid], idx_v)
        ones = jnp.full((16,), 1.0, jnp.float32)

        def body(j, carry):
            def inner(q, carry2):
                v = idx_v[j, pl.ds(q * 16, 16)]
                plsc.addupdate_scatter(deg_v, [v], ones)
                return carry2
            return lax.fori_loop(0, K // 16, inner, carry)

        lax.fori_loop(0, CPW, body, 0)
        pltpu.sync_copy(deg_v, out_hbm.at[pl.ds(wid * N, N)])

    return deg(dst3, zeros)


def _agg_call(u, src3, dst3, zeros, D=128, tc_tiling=True, K_=K, CPW_=CPW):
    @functools.partial(
        pl.kernel,
        out_type=jax.ShapeDtypeStruct((NC, N, D), jnp.float32),
        mesh=_sc_mesh(),
        compiler_params=pltpu.CompilerParams(use_tc_tiling_on_sc=tc_tiling),
        scratch_types=[
            pltpu.VMEM((CPW_ * K_,), jnp.int32),
            pltpu.VMEM((CPW_, K_), jnp.int32),
            pltpu.VMEM((K_, D), jnp.float32),
            pltpu.VMEM((K_, D), jnp.float32),
            pltpu.VMEM_SHARED((N + 8, D), jnp.float32),
            pltpu.SemaphoreType.DMA,
            pltpu.SemaphoreType.DMA,
        ],
    )
    def agg(u_hbm, src_hbm, dst_hbm, zeros_hbm, out_hbm,
            src_v, dst_v, rows_a, rows_b, acc_sp, sem_a, sem_b):
        c = lax.axis_index("c")
        s = lax.axis_index("s")
        wid = s * NC + c

        @pl.when(s < NS - 1)
        def _():
            pltpu.sync_copy(zeros_hbm.at[pl.ds(0, RF)],
                            acc_sp.at[pl.ds(s * RF, RF)])

        @pl.when(s == NS - 1)
        def _():
            pltpu.sync_copy(zeros_hbm.at[pl.ds(0, RL)],
                            acc_sp.at[pl.ds((NS - 1) * RF, RL)])

        pltpu.sync_copy(src_hbm.at[pl.ds(wid * CPW_ * K_, CPW_ * K_)], src_v)
        pltpu.sync_copy(dst_hbm.at[wid], dst_v)
        plsc.subcore_barrier()

        def gather(j, buf, sem):
            return pltpu.async_copy(
                u_hbm.at[src_v.at[pl.ds(j * K_, K_)]], buf, sem)

        def wait_gather(buf, sem):
            pltpu.make_async_copy(
                u_hbm.at[src_v.at[pl.ds(0, K_)]], buf, sem).wait()

        gather(0, rows_a, sem_a)

        def body(i, carry):
            j = 2 * i
            gather(j + 1, rows_b, sem_b)
            wait_gather(rows_a, sem_a)
            pltpu.sync_copy(rows_a, acc_sp.at[dst_v.at[j]], add=True)
            gather(j + 2, rows_a, sem_a)
            wait_gather(rows_b, sem_b)
            pltpu.sync_copy(rows_b, acc_sp.at[dst_v.at[j + 1]], add=True)
            return carry

        lax.fori_loop(0, CPW_ // 2, body, 0)
        wait_gather(rows_a, sem_a)
        pltpu.sync_copy(rows_a, acc_sp.at[dst_v.at[CPW_ - 1]], add=True)
        plsc.subcore_barrier()

        @pl.when(s < NS - 1)
        def _():
            pltpu.sync_copy(acc_sp.at[pl.ds(s * RF, RF)],
                            out_hbm.at[c, pl.ds(s * RF, RF)])

        @pl.when(s == NS - 1)
        def _():
            pltpu.sync_copy(acc_sp.at[pl.ds((NS - 1) * RF, RL)],
                            out_hbm.at[c, pl.ds((NS - 1) * RF, RL)])

    return agg(u, src3, dst3, zeros)


NZ = N + 16
BNZ = 2504


def _tc_prep(degp, x):

    def body(degp_ref, x_ref, dis_ref, u1_ref):
        deg = jnp.sum(degp_ref[...], axis=1, keepdims=True) + 1.0
        dis = lax.rsqrt(deg)
        dis_ref[...] = dis
        u1_ref[...] = x_ref[...] * dis

        @pl.when(pl.program_id(0) == 3)
        def _():
            u1_ref[BNZ - 16:, :] = jnp.zeros((16, 128), jnp.float32)

    return pl.pallas_call(
        body,
        grid=(NZ // BNZ,),
        in_specs=[
            pl.BlockSpec((BNZ, NW), lambda i: (i, 0)),
            pl.BlockSpec((BNZ, 128), lambda i: (i, 0)),
        ],
        out_specs=[
            pl.BlockSpec((BNZ, 1), lambda i: (i, 0)),
            pl.BlockSpec((BNZ, 128), lambda i: (i, 0)),
        ],
        out_shape=[
            jax.ShapeDtypeStruct((NZ, 1), jnp.float32),
            jax.ShapeDtypeStruct((NZ, 128), jnp.float32),
        ],
    )(degp, x)


def _tc_mid(p, u1, dis, W1, b1r, W2p):

    def body(p_ref, u1_ref, dis_ref, W1_ref, b1_ref, W2_ref, u2_ref):
        z1 = (p_ref[0] + p_ref[1] + u1_ref[...]) * dis_ref[...]
        h1 = jnp.dot(z1, W1_ref[...], preferred_element_type=jnp.float32)
        h1 = jnp.maximum(h1 + b1_ref[...], 0.0)
        g = jnp.dot(h1, W2_ref[...], preferred_element_type=jnp.float32)
        u2_ref[...] = g * dis_ref[...]

        @pl.when(pl.program_id(0) == 3)
        def _():
            u2_ref[BNZ - 16:, :] = jnp.zeros((16, 48), jnp.float32)

    return pl.pallas_call(
        body,
        grid=(NZ // BNZ,),
        in_specs=[
            pl.BlockSpec((NC, BNZ, 128), lambda i: (0, i, 0)),
            pl.BlockSpec((BNZ, 128), lambda i: (i, 0)),
            pl.BlockSpec((BNZ, 1), lambda i: (i, 0)),
            pl.BlockSpec((128, 256), lambda i: (0, 0)),
            pl.BlockSpec((1, 256), lambda i: (0, 0)),
            pl.BlockSpec((256, 48), lambda i: (0, 0)),
        ],
        out_specs=pl.BlockSpec((BNZ, 48), lambda i: (i, 0)),
        out_shape=jax.ShapeDtypeStruct((NZ, 48), jnp.float32),
    )(p, u1, dis, W1, b1r, W2p)


def _tc_final(q, u2, dis, b2r):
    BN = 1000

    def body(q_ref, u2_ref, dis_ref, b2_ref, out_ref):
        z = (q_ref[0] + q_ref[1] + u2_ref[...]) * dis_ref[...]
        logits = z[:, :40] + b2_ref[...]
        m = jnp.max(logits, axis=1, keepdims=True)
        ex = jnp.exp(logits - m)
        lse = jnp.log(jnp.sum(ex, axis=1, keepdims=True)) + m
        out_ref[...] = logits - lse

    return pl.pallas_call(
        body,
        grid=(N // BN,),
        in_specs=[
            pl.BlockSpec((NC, BN, 48), lambda i: (0, i, 0)),
            pl.BlockSpec((BN, 48), lambda i: (i, 0)),
            pl.BlockSpec((BN, 1), lambda i: (i, 0)),
            pl.BlockSpec((1, 40), lambda i: (0, 0)),
        ],
        out_specs=pl.BlockSpec((BN, 40), lambda i: (i, 0)),
        out_shape=jax.ShapeDtypeStruct((N, 40), jnp.float32),
    )(q, u2, dis, b2r)


def kernel(x, edge, W1, b1, W2, b2):
    f32 = jnp.float32
    src1 = edge[0]
    dst3 = edge[1].reshape(NW, CPW, K)
    zeros = jnp.zeros((RF, 128), f32)
    degf = _deg_call(dst3, zeros)
    degp = degf.reshape(NW, N).T.reshape(N, NW)
    dis, u1 = _tc_prep(degp, x)
    K1, CPW1 = 104, 97
    pad1 = NW * CPW1 * K1 - E
    pidx = jnp.arange(pad1, dtype=jnp.int32)
    src1p = jnp.concatenate([edge[0], N + (pidx % 16)])
    dst1p = jnp.concatenate([edge[1], pidx % N]).reshape(NW, CPW1, K1)
    p = _agg_call(u1, src1p, dst1p, zeros, K_=K1, CPW_=CPW1)
    u2 = _tc_mid(p, u1, dis, W1, b1.reshape(1, -1),
                 jnp.pad(W2, ((0, 0), (0, 8))))
    q = _agg_call(u2, src1p, dst1p, jnp.zeros((RF, 48), f32),
                  D=48, tc_tiling=False, K_=K1, CPW_=CPW1)
    return _tc_final(q, u2, dis, b2.reshape(1, -1))

# --- scband reference (transcript-rebuilt; emitter-appended) ---
"""Pipeline reference for scband-gcn-29575144800296 (READ-ONLY COPY).

The authoritative reference and input builder live on the scoring server;
editing this copy changes nothing except your own understanding.
"""

import jax, jax.numpy as jnp
import numpy as np

N = 10000
E = 320000
D_IN = 128
D_HID = 256
D_OUT = 40


def setup_inputs(seed: int = 0) -> dict:
    key = jax.random.key(seed)
    k1, k2, k3, k4 = jax.random.split(key, 4)
    x = jax.random.normal(k1, (N, D_IN), dtype=jnp.float32)
    edge = jax.random.randint(k2, (2, E), 0, N, dtype=jnp.int32)
    W1 = jax.random.normal(k3, (D_IN, D_HID), dtype=jnp.float32) * (1.0 / np.sqrt(D_IN))
    b1 = jnp.zeros((D_HID,), dtype=jnp.float32)
    W2 = jax.random.normal(k4, (D_HID, D_OUT), dtype=jnp.float32) * (1.0 / np.sqrt(D_HID))
    b2 = jnp.zeros((D_OUT,), dtype=jnp.float32)
    return {"x": x, "edge": edge, "W1": W1, "b1": b1, "W2": W2, "b2": b2}


def _gcn_conv(x, edge, W, b):
    # Faithful GCNConv: add self-loops, symmetric deg^-1/2 normalization,
    # linear transform, scatter-add aggregation over dst, bias.
    n = x.shape[0]
    loop = jnp.arange(n, dtype=edge.dtype)
    src = jnp.concatenate([edge[0], loop])
    dst = jnp.concatenate([edge[1], loop])
    deg = jnp.zeros((n,), dtype=x.dtype).at[dst].add(1.0)
    deg_inv_sqrt = jnp.where(deg > 0, jax.lax.rsqrt(jnp.maximum(deg, 1e-12)), 0.0)
    norm = deg_inv_sqrt[src] * deg_inv_sqrt[dst]
    h = x @ W
    msg = h[src] * norm[:, None]
    out = jnp.zeros((n, W.shape[1]), dtype=x.dtype).at[dst].add(msg)
    return out + b


def reference(x, edge, W1, b1, W2, b2):
    h = _gcn_conv(x, edge, W1, b1)
    h = jax.nn.relu(h)
    # F.dropout(training=self.training): identity in eval / deterministic reference
    h = _gcn_conv(h, edge, W2, b2)
    return jax.nn.log_softmax(h, axis=1)

if __name__ == "__main__":
    import jax
    _d = setup_inputs()
    print(jax.jit(kernel)(*tuple(_d.values())))

</pallas_src>

<mosaic_0001>
#map = affine_map<(d0, d1) -> (0, 0, 0)>
#map1 = affine_map<(d0, d1) -> (0, 0)>
#map2 = affine_map<(d0, d1) -> (0)>
module attributes {stable_mosaic.version = 14 : i64} {
  func.func @deg(%arg0: i32, %arg1: i32, %arg2: memref<32x125x80xi32, #tpu.memory_space<hbm>>, %arg3: memref<632x128xf32, #tpu.memory_space<hbm>>, %arg4: memref<320000xf32, #tpu.memory_space<hbm>>, %arg5: memref<125x80xi32, #tpu.memory_space<vmem>>, %arg6: memref<10000xf32, #tpu.memory_space<vmem>>) attributes {dimension_semantics = [#tpu.dimension_semantics<core_parallel>, #tpu.dimension_semantics<subcore_parallel>], iteration_bounds = array<i64: 2, 16>, scalar_prefetch = 0 : i64, scratch_operands = 2 : i64, tpu.core_type = #tpu.core_type<sc_vector_subcore>, window_params = [{transform_indices = #map}, {transform_indices = #map1}, {transform_indices = #map2}]} {
    %mul3A = arith.constant 2 : i32
    %mul3A_0 = arith.muli %arg1, %mul3A : i32
    %add3A = arith.addi %mul3A_0, %arg0 : i32
    %scan3A = arith.constant 0 : i32
    %scan3A_1 = arith.constant 0 : i32
    %scan3A_2 = arith.constant 625 : i32
    %scan3A_3 = arith.addi %scan3A_1, %scan3A_2 : i32
    %scan3A_4 = arith.constant 1 : i32
    scf.for %scan3A_15 = %scan3A_1 to %scan3A_3 step %scan3A_4  : i32 {
      %broadcast_in_dim3A_16 = arith.constant 0.000000e+00 : f32
      %broadcast_in_dim3A_17 = vector.broadcast %broadcast_in_dim3A_16 : f32 to vector<16xf32>
      %mul3A_18 = arith.constant 16 : i32
      %mul3A_19 = arith.muli %scan3A_15, %mul3A_18 : i32
      %swap3A = arith.index_cast %mul3A_19 : i32 to index
      %swap3A_20 = tpu.vector_load %arg6[%swap3A] {strides = array<i32>} : memref<10000xf32, #tpu.memory_space<vmem>>, vector<16xf32>,
      tpu.vector_store %arg6[%swap3A], %broadcast_in_dim3A_17 {strides = array<i32>} : memref<10000xf32, #tpu.memory_space<vmem>>, vector<16xf32>,
    }
    %scan3A_5 = arith.constant 625 : i32
    "tpu.region"() ({
      %run_scoped3A = tpu.sem_alloc : memref<!tpu.dma_semaphore, #tpu.memory_space<semaphore_mem>>
      %dma_start3A = arith.constant 0 : i32
      %dma_start3A_15 = arith.constant 0 : i32
      %dma_start3A_16 = tpu.memref_slice %arg2[%add3A, %dma_start3A, %dma_start3A_15] : memref<32x125x80xi32, #tpu.memory_space<hbm>> -> memref<1x125x80xi32, #tpu.memory_space<hbm>>
      %dma_start3A_17 = tpu.memref_squeeze %dma_start3A_16 : memref<1x125x80xi32, #tpu.memory_space<hbm>> -> memref<125x80xi32, #tpu.memory_space<hbm>>
      %dma_start3A_18 = arith.constant 0 : i32
      %dma_start3A_19 = arith.constant 0 : i32
      %dma_start3A_20 = tpu.memref_slice %arg2[%add3A, %dma_start3A_18, %dma_start3A_19] : memref<32x125x80xi32, #tpu.memory_space<hbm>> -> memref<1x125x80xi32, #tpu.memory_space<hbm>>
      %dma_start3A_21 = tpu.memref_squeeze %dma_start3A_20 : memref<1x125x80xi32, #tpu.memory_space<hbm>> -> memref<125x80xi32, #tpu.memory_space<hbm>>
      tpu.enqueue_dma source(%dma_start3A_21 : memref<125x80xi32, #tpu.memory_space<hbm>>) target(%arg5 : memref<125x80xi32, #tpu.memory_space<vmem>>) target_semaphore(%run_scoped3A : memref<!tpu.dma_semaphore, #tpu.memory_space<semaphore_mem>>)
      %dma_wait3A = arith.constant 0 : i32
      %dma_wait3A_22 = arith.constant 0 : i32
      %dma_wait3A_23 = tpu.memref_slice %arg2[%add3A, %dma_wait3A, %dma_wait3A_22] : memref<32x125x80xi32, #tpu.memory_space<hbm>> -> memref<1x125x80xi32, #tpu.memory_space<hbm>>
      %dma_wait3A_24 = tpu.memref_squeeze %dma_wait3A_23 : memref<1x125x80xi32, #tpu.memory_space<hbm>> -> memref<125x80xi32, #tpu.memory_space<hbm>>
      %dma_wait3A_25 = arith.constant 0 : i32
      %dma_wait3A_26 = arith.constant 0 : i32
      %dma_wait3A_27 = tpu.memref_slice %arg2[%add3A, %dma_wait3A_25, %dma_wait3A_26] : memref<32x125x80xi32, #tpu.memory_space<hbm>> -> memref<1x125x80xi32, #tpu.memory_space<hbm>>
      %dma_wait3A_28 = tpu.memref_squeeze %dma_wait3A_27 : memref<1x125x80xi32, #tpu.memory_space<hbm>> -> memref<125x80xi32, #tpu.memory_space<hbm>>
      tpu.wait_dma2 semaphore(%run_scoped3A : memref<!tpu.dma_semaphore, #tpu.memory_space<semaphore_mem>>) src(%dma_wait3A_28 : memref<125x80xi32, #tpu.memory_space<hbm>>) dst(%arg5 : memref<125x80xi32, #tpu.memory_space<vmem>>)
      tpu.yield
    }) : () -> ()
    %broadcast_in_dim3A = arith.constant 1.000000e+00 : f32
    %broadcast_in_dim3A_6 = vector.broadcast %broadcast_in_dim3A : f32 to vector<16xf32>
    %scan3A_7 = arith.constant 0 : i32
    %scan3A_8 = arith.constant 0 : i32
    %scan3A_9 = arith.constant 125 : i32
    %scan3A_10 = arith.addi %scan3A_8, %scan3A_9 : i32
    %scan3A_11 = arith.constant 1 : i32
    scf.for %scan3A_15 = %scan3A_8 to %scan3A_10 step %scan3A_11  : i32 {
      %scan3A_16 = arith.constant 0 : i32
      %scan3A_17 = arith.constant 5 : i32
      %scan3A_18 = arith.addi %scan3A_16, %scan3A_17 : i32
      %scan3A_19 = arith.constant 1 : i32
      scf.for %scan3A_21 = %scan3A_16 to %scan3A_18 step %scan3A_19  : i32 {
        %mul3A_22 = arith.constant 16 : i32
        %mul3A_23 = arith.muli %scan3A_21, %mul3A_22 : i32
        %get3A = arith.index_cast %scan3A_15 : i32 to index
        %get3A_24 = arith.index_cast %mul3A_23 : i32 to index
        %get3A_25 = tpu.vector_load %arg5[%get3A, %get3A_24] {strides = array<i32>} : memref<125x80xi32, #tpu.memory_space<vmem>>, vector<16xi32>,
        tpu.vector_store_idx %arg6[%get3A_25], %broadcast_in_dim3A_6 {add = true} : memref<10000xf32, #tpu.memory_space<vmem>>[vector<16xi32>], vector<16xf32>,
      }
      %scan3A_20 = arith.constant 5 : i32
    }
    %scan3A_12 = arith.constant 125 : i32
    %mul3A_13 = arith.constant 10000 : i32
    %mul3A_14 = arith.muli %add3A, %mul3A_13 : i32
    "tpu.region"() ({
      %run_scoped3A = tpu.sem_alloc : memref<!tpu.dma_semaphore, #tpu.memory_space<semaphore_mem>>
      %dma_start3A = tpu.memref_slice %arg4[%mul3A_14] : memref<320000xf32, #tpu.memory_space<hbm>> -> memref<10000xf32, #tpu.memory_space<hbm>>
      %dma_start3A_15 = tpu.memref_slice %arg4[%mul3A_14] : memref<320000xf32, #tpu.memory_space<hbm>> -> memref<10000xf32, #tpu.memory_space<hbm>>
      tpu.enqueue_dma source(%arg6 : memref<10000xf32, #tpu.memory_space<vmem>>) target(%dma_start3A_15 : memref<10000xf32, #tpu.memory_space<hbm>>) target_semaphore(%run_scoped3A : memref<!tpu.dma_semaphore, #tpu.memory_space<semaphore_mem>>)
      %dma_wait3A = tpu.memref_slice %arg4[%mul3A_14] : memref<320000xf32, #tpu.memory_space<hbm>> -> memref<10000xf32, #tpu.memory_space<hbm>>
      %dma_wait3A_16 = tpu.memref_slice %arg4[%mul3A_14] : memref<320000xf32, #tpu.memory_space<hbm>> -> memref<10000xf32, #tpu.memory_space<hbm>>
      tpu.wait_dma2 semaphore(%run_scoped3A : memref<!tpu.dma_semaphore, #tpu.memory_space<semaphore_mem>>) src(%arg6 : memref<10000xf32, #tpu.memory_space<vmem>>) dst(%dma_wait3A_16 : memref<10000xf32, #tpu.memory_space<hbm>>)
      tpu.yield
    }) : () -> ()
    return
  }
}

#map = affine_map<(d0, d1) -> (0, 0)>
#map1 = affine_map<(d0, d1) -> (0)>
#map2 = affine_map<(d0, d1) -> (0, 0, 0)>
module attributes {stable_mosaic.version = 14 : i64} {
  func.func @agg(%arg0: i32, %arg1: i32, %arg2: memref<10016x128xf32, #tpu.memory_space<hbm>>, %arg3: memref<322816xi32, #tpu.memory_space<hbm>>, %arg4: memref<32x97x104xi32, #tpu.memory_space<hbm>>, %arg5: memref<632x128xf32, #tpu.memory_space<hbm>>, %arg6: memref<2x10000x128xf32, #tpu.memory_space<hbm>>, %arg7: memref<10088xi32, #tpu.memory_space<vmem>>, %arg8: memref<97x104xi32, #tpu.memory_space<vmem>>, %arg9: memref<104x128xf32, #tpu.memory_space<vmem>>, %arg10: memref<104x128xf32, #tpu.memory_space<vmem>>, %arg11: memref<10008x128xf32, #tpu.memory_space<vmem_shared>>, %arg12: memref<!tpu.dma_semaphore, #tpu.memory_space<semaphore_mem>>, %arg13: memref<!tpu.dma_semaphore, #tpu.memory_space<semaphore_mem>>) attributes {dimension_semantics = [#tpu.dimension_semantics<core_parallel>, #tpu.dimension_semantics<subcore_parallel>], iteration_bounds = array<i64: 2, 16>, scalar_prefetch = 0 : i64, scratch_operands = 7 : i64, tpu.core_type = #tpu.core_type<sc_vector_subcore>, window_params = [{transform_indices = #map}, {transform_indices = #map1}, {transform_indices = #map2}, {transform_indices = #map}, {transform_indices = #map2}]} {
    %mul3A = arith.constant 2 : i32
    %mul3A_0 = arith.muli %arg1, %mul3A : i32
    %add3A = arith.addi %mul3A_0, %arg0 : i32
    %lt3A = arith.constant 15 : i32
    %lt3A_1 = arith.cmpi slt, %arg1, %lt3A : i32
    %convert_element_type3A = arith.extui %lt3A_1 : i1 to i32
    %cond3A = arith.constant 0 : i32
    %cond3A_2 = arith.cmpi ne, %convert_element_type3A, %cond3A : i32
    scf.if %cond3A_2 {
      %mul3A_35 = arith.constant 632 : i32
      %mul3A_36 = arith.muli %arg1, %mul3A_35 : i32
      "tpu.region"() ({
        %run_scoped3A_37 = tpu.sem_alloc : memref<!tpu.dma_semaphore, #tpu.memory_space<semaphore_mem>>
        %dma_start3A_38 = arith.constant 0 : i32
        %dma_start3A_39 = tpu.memref_slice %arg11[%mul3A_36, %dma_start3A_38] : memref<10008x128xf32, #tpu.memory_space<vmem_shared>> -> memref<632x128xf32, #tpu.memory_space<vmem_shared>>
        %dma_start3A_40 = arith.constant 0 : i32
        %dma_start3A_41 = arith.constant 0 : i32
        %dma_start3A_42 = tpu.memref_slice %arg5[%dma_start3A_40, %dma_start3A_41] : memref<632x128xf32, #tpu.memory_space<hbm>> -> memref<632x128xf32, #tpu.memory_space<hbm>>
        tpu.enqueue_dma source(%dma_start3A_42 : memref<632x128xf32, #tpu.memory_space<hbm>>) target(%dma_start3A_39 : memref<632x128xf32, #tpu.memory_space<vmem_shared>>) target_semaphore(%run_scoped3A_37 : memref<!tpu.dma_semaphore, #tpu.memory_space<semaphore_mem>>)
        %dma_wait3A_43 = arith.constant 0 : i32
        %dma_wait3A_44 = tpu.memref_slice %arg11[%mul3A_36, %dma_wait3A_43] : memref<10008x128xf32, #tpu.memory_space<vmem_shared>> -> memref<632x128xf32, #tpu.memory_space<vmem_shared>>
        %dma_wait3A_45 = arith.constant 0 : i32
        %dma_wait3A_46 = arith.constant 0 : i32
        %dma_wait3A_47 = tpu.memref_slice %arg5[%dma_wait3A_45, %dma_wait3A_46] : memref<632x128xf32, #tpu.memory_space<hbm>> -> memref<632x128xf32, #tpu.memory_space<hbm>>
        tpu.wait_dma2 semaphore(%run_scoped3A_37 : memref<!tpu.dma_semaphore, #tpu.memory_space<semaphore_mem>>) src(%dma_wait3A_47 : memref<632x128xf32, #tpu.memory_space<hbm>>) dst(%dma_wait3A_44 : memref<632x128xf32, #tpu.memory_space<vmem_shared>>)
        tpu.yield
      }) : () -> ()
    } else {
    }
    %eq3A = arith.constant 15 : i32
    %eq3A_3 = arith.cmpi eq, %arg1, %eq3A : i32
    %convert_element_type3A_4 = arith.extui %eq3A_3 : i1 to i32
    %cond3A_5 = arith.constant 0 : i32
    %cond3A_6 = arith.cmpi ne, %convert_element_type3A_4, %cond3A_5 : i32
    scf.if %cond3A_6 {
      "tpu.region"() ({
        %run_scoped3A_35 = tpu.sem_alloc : memref<!tpu.dma_semaphore, #tpu.memory_space<semaphore_mem>>
        %dma_start3A_36 = arith.constant 9480 : i32
        %dma_start3A_37 = arith.constant 0 : i32
        %dma_start3A_38 = tpu.memref_slice %arg11[%dma_start3A_36, %dma_start3A_37] : memref<10008x128xf32, #tpu.memory_space<vmem_shared>> -> memref<520x128xf32, #tpu.memory_space<vmem_shared>>
        %dma_start3A_39 = arith.constant 0 : i32
        %dma_start3A_40 = arith.constant 0 : i32
        %dma_start3A_41 = tpu.memref_slice %arg5[%dma_start3A_39, %dma_start3A_40] : memref<632x128xf32, #tpu.memory_space<hbm>> -> memref<520x128xf32, #tpu.memory_space<hbm>>
        tpu.enqueue_dma source(%dma_start3A_41 : memref<520x128xf32, #tpu.memory_space<hbm>>) target(%dma_start3A_38 : memref<520x128xf32, #tpu.memory_space<vmem_shared>>) target_semaphore(%run_scoped3A_35 : memref<!tpu.dma_semaphore, #tpu.memory_space<semaphore_mem>>)
        %dma_wait3A_42 = arith.constant 9480 : i32
        %dma_wait3A_43 = arith.constant 0 : i32
        %dma_wait3A_44 = tpu.memref_slice %arg11[%dma_wait3A_42, %dma_wait3A_43] : memref<10008x128xf32, #tpu.memory_space<vmem_shared>> -> memref<520x128xf32, #tpu.memory_space<vmem_shared>>
        %dma_wait3A_45 = arith.constant 0 : i32
        %dma_wait3A_46 = arith.constant 0 : i32
        %dma_wait3A_47 = tpu.memref_slice %arg5[%dma_wait3A_45, %dma_wait3A_46] : memref<632x128xf32, #tpu.memory_space<hbm>> -> memref<520x128xf32, #tpu.memory_space<hbm>>
        tpu.wait_dma2 semaphore(%run_scoped3A_35 : memref<!tpu.dma_semaphore, #tpu.memory_space<semaphore_mem>>) src(%dma_wait3A_47 : memref<520x128xf32, #tpu.memory_space<hbm>>) dst(%dma_wait3A_44 : memref<520x128xf32, #tpu.memory_space<vmem_shared>>)
        tpu.yield
      }) : () -> ()
    } else {
    }
    %mul3A_7 = arith.constant 97 : i32
    %mul3A_8 = arith.muli %add3A, %mul3A_7 : i32
    %mul3A_9 = arith.constant 104 : i32
    %mul3A_10 = arith.muli %mul3A_8, %mul3A_9 : i32
    "tpu.region"() ({
      %run_scoped3A_35 = tpu.sem_alloc : memref<!tpu.dma_semaphore, #tpu.memory_space<semaphore_mem>>
      %dma_start3A_36 = tpu.memref_slice %arg3[%mul3A_10] : memref<322816xi32, #tpu.memory_space<hbm>> -> memref<10088xi32, #tpu.memory_space<hbm>>
      %dma_start3A_37 = tpu.memref_slice %arg3[%mul3A_10] : memref<322816xi32, #tpu.memory_space<hbm>> -> memref<10088xi32, #tpu.memory_space<hbm>>
      tpu.enqueue_dma source(%dma_start3A_37 : memref<10088xi32, #tpu.memory_space<hbm>>) target(%arg7 : memref<10088xi32, #tpu.memory_space<vmem>>) target_semaphore(%run_scoped3A_35 : memref<!tpu.dma_semaphore, #tpu.memory_space<semaphore_mem>>)
      %dma_wait3A_38 = tpu.memref_slice %arg3[%mul3A_10] : memref<322816xi32, #tpu.memory_space<hbm>> -> memref<10088xi32, #tpu.memory_space<hbm>>
      %dma_wait3A_39 = tpu.memref_slice %arg3[%mul3A_10] : memref<322816xi32, #tpu.memory_space<hbm>> -> memref<10088xi32, #tpu.memory_space<hbm>>
      tpu.wait_dma2 semaphore(%run_scoped3A_35 : memref<!tpu.dma_semaphore, #tpu.memory_space<semaphore_mem>>) src(%dma_wait3A_39 : memref<10088xi32, #tpu.memory_space<hbm>>) dst(%arg7 : memref<10088xi32, #tpu.memory_space<vmem>>)
      tpu.yield
    }) : () -> ()
    "tpu.region"() ({
      %run_scoped3A_35 = tpu.sem_alloc : memref<!tpu.dma_semaphore, #tpu.memory_space<semaphore_mem>>
      %dma_start3A_36 = arith.constant 0 : i32
      %dma_start3A_37 = arith.constant 0 : i32
      %dma_start3A_38 = tpu.memref_slice %arg4[%add3A, %dma_start3A_36, %dma_start3A_37] : memref<32x97x104xi32, #tpu.memory_space<hbm>> -> memref<1x97x104xi32, #tpu.memory_space<hbm>>
      %dma_start3A_39 = tpu.memref_squeeze %dma_start3A_38 : memref<1x97x104xi32, #tpu.memory_space<hbm>> -> memref<97x104xi32, #tpu.memory_space<hbm>>
      %dma_start3A_40 = arith.constant 0 : i32
      %dma_start3A_41 = arith.constant 0 : i32
      %dma_start3A_42 = tpu.memref_slice %arg4[%add3A, %dma_start3A_40, %dma_start3A_41] : memref<32x97x104xi32, #tpu.memory_space<hbm>> -> memref<1x97x104xi32, #tpu.memory_space<hbm>>
      %dma_start3A_43 = tpu.memref_squeeze %dma_start3A_42 : memref<1x97x104xi32, #tpu.memory_space<hbm>> -> memref<97x104xi32, #tpu.memory_space<hbm>>
      tpu.enqueue_dma source(%dma_start3A_43 : memref<97x104xi32, #tpu.memory_space<hbm>>) target(%arg8 : memref<97x104xi32, #tpu.memory_space<vmem>>) target_semaphore(%run_scoped3A_35 : memref<!tpu.dma_semaphore, #tpu.memory_space<semaphore_mem>>)
      %dma_wait3A_44 = arith.constant 0 : i32
      %dma_wait3A_45 = arith.constant 0 : i32
      %dma_wait3A_46 = tpu.memref_slice %arg4[%add3A, %dma_wait3A_44, %dma_wait3A_45] : memref<32x97x104xi32, #tpu.memory_space<hbm>> -> memref<1x97x104xi32, #tpu.memory_space<hbm>>
      %dma_wait3A_47 = tpu.memref_squeeze %dma_wait3A_46 : memref<1x97x104xi32, #tpu.memory_space<hbm>> -> memref<97x104xi32, #tpu.memory_space<hbm>>
      %dma_wait3A_48 = arith.constant 0 : i32
      %dma_wait3A_49 = arith.constant 0 : i32
      %dma_wait3A_50 = tpu.memref_slice %arg4[%add3A, %dma_wait3A_48, %dma_wait3A_49] : memref<32x97x104xi32, #tpu.memory_space<hbm>> -> memref<1x97x104xi32, #tpu.memory_space<hbm>>
      %dma_wait3A_51 = tpu.memref_squeeze %dma_wait3A_50 : memref<1x97x104xi32, #tpu.memory_space<hbm>> -> memref<97x104xi32, #tpu.memory_space<hbm>>
      tpu.wait_dma2 semaphore(%run_scoped3A_35 : memref<!tpu.dma_semaphore, #tpu.memory_space<semaphore_mem>>) src(%dma_wait3A_51 : memref<97x104xi32, #tpu.memory_space<hbm>>) dst(%arg8 : memref<97x104xi32, #tpu.memory_space<vmem>>)
      tpu.yield
    }) : () -> ()
    %barrier3A = arith.constant 0 : index
    tpu.barrier barrier_id(%barrier3A)
    %dma_start3A = arith.constant 0 : i32
    %dma_start3A_11 = tpu.memref_slice %arg7[%dma_start3A] : memref<10088xi32, #tpu.memory_space<vmem>> -> memref<104xi32, #tpu.memory_space<vmem>>
    %dma_start3A_12 = arith.constant 0 : i32
    %dma_start3A_13 = arith.constant 0 : i32
    %dma_start3A_14 = tpu.memref_slice %arg2[%dma_start3A_12, %dma_start3A_13] : memref<10016x128xf32, #tpu.memory_space<hbm>> -> memref<10016x128xf32, #tpu.memory_space<hbm>>
    tpu.enqueue_indirect_dma source(%dma_start3A_14 : memref<10016x128xf32, #tpu.memory_space<hbm>>) target(%arg9 : memref<104x128xf32, #tpu.memory_space<vmem>>) offsets(%dma_start3A_11 : memref<104xi32, #tpu.memory_space<vmem>>) semaphore(%arg12 : memref<!tpu.dma_semaphore, #tpu.memory_space<semaphore_mem>>)
    %scan3A = arith.constant 0 : i32
    %scan3A_15 = arith.constant 0 : i32
    %scan3A_16 = arith.constant 48 : i32
    %scan3A_17 = arith.addi %scan3A_15, %scan3A_16 : i32
    %scan3A_18 = arith.constant 1 : i32
    scf.for %scan3A_35 = %scan3A_15 to %scan3A_17 step %scan3A_18  : i32 {
      %mul3A_36 = arith.constant 2 : i32
      %mul3A_37 = arith.muli %mul3A_36, %scan3A_35 : i32
      %add3A_38 = arith.constant 1 : i32
      %add3A_39 = arith.addi %mul3A_37, %add3A_38 : i32
      %mul3A_40 = arith.constant 104 : i32
      %mul3A_41 = arith.muli %add3A_39, %mul3A_40 : i32
      %dma_start3A_42 = tpu.memref_slice %arg7[%mul3A_41] : memref<10088xi32, #tpu.memory_space<vmem>> -> memref<104xi32, #tpu.memory_space<vmem>>
      %dma_start3A_43 = arith.constant 0 : i32
      %dma_start3A_44 = arith.constant 0 : i32
      %dma_start3A_45 = tpu.memref_slice %arg2[%dma_start3A_43, %dma_start3A_44] : memref<10016x128xf32, #tpu.memory_space<hbm>> -> memref<10016x128xf32, #tpu.memory_space<hbm>>
      tpu.enqueue_indirect_dma source(%dma_start3A_45 : memref<10016x128xf32, #tpu.memory_space<hbm>>) target(%arg10 : memref<104x128xf32, #tpu.memory_space<vmem>>) offsets(%dma_start3A_42 : memref<104xi32, #tpu.memory_space<vmem>>) semaphore(%arg13 : memref<!tpu.dma_semaphore, #tpu.memory_space<semaphore_mem>>)
      %dma_wait3A_46 = arith.constant 0 : i32
      %dma_wait3A_47 = tpu.memref_slice %arg7[%dma_wait3A_46] : memref<10088xi32, #tpu.memory_space<vmem>> -> memref<104xi32, #tpu.memory_space<vmem>>
      %dma_wait3A_48 = arith.constant 0 : i32
      %dma_wait3A_49 = arith.constant 0 : i32
      %dma_wait3A_50 = tpu.memref_slice %arg2[%dma_wait3A_48, %dma_wait3A_49] : memref<10016x128xf32, #tpu.memory_space<hbm>> -> memref<10016x128xf32, #tpu.memory_space<hbm>>
      tpu.wait_indirect_dma semaphore(%arg12 : memref<!tpu.dma_semaphore, #tpu.memory_space<semaphore_mem>>) src(%dma_wait3A_50 : memref<10016x128xf32, #tpu.memory_space<hbm>>) dst(%arg9 : memref<104x128xf32, #tpu.memory_space<vmem>>)
      "tpu.region"() ({
        %run_scoped3A_66 = tpu.sem_alloc : memref<!tpu.dma_semaphore, #tpu.memory_space<semaphore_mem>>
        %dma_start3A_67 = arith.constant 0 : i32
        %dma_start3A_68 = tpu.memref_slice %arg8[%mul3A_37, %dma_start3A_67] : memref<97x104xi32, #tpu.memory_space<vmem>> -> memref<1x104xi32, #tpu.memory_space<vmem>>
        %dma_start3A_69 = tpu.memref_squeeze %dma_start3A_68 : memref<1x104xi32, #tpu.memory_space<vmem>> -> memref<104xi32, #tpu.memory_space<vmem>>
        %dma_start3A_70 = arith.constant 0 : i32
        %dma_start3A_71 = arith.constant 0 : i32
        %dma_start3A_72 = tpu.memref_slice %arg11[%dma_start3A_70, %dma_start3A_71] : memref<10008x128xf32, #tpu.memory_space<vmem_shared>> -> memref<10008x128xf32, #tpu.memory_space<vmem_shared>>
        tpu.enqueue_indirect_dma source(%arg9 : memref<104x128xf32, #tpu.memory_space<vmem>>) target(%dma_start3A_72 : memref<10008x128xf32, #tpu.memory_space<vmem_shared>>) offsets(%dma_start3A_69 : memref<104xi32, #tpu.memory_space<vmem>>) semaphore(%run_scoped3A_66 : memref<!tpu.dma_semaphore, #tpu.memory_space<semaphore_mem>>) {add = true}
        %dma_wait3A_73 = arith.constant 0 : i32
        %dma_wait3A_74 = tpu.memref_slice %arg8[%mul3A_37, %dma_wait3A_73] : memref<97x104xi32, #tpu.memory_space<vmem>> -> memref<1x104xi32, #tpu.memory_space<vmem>>
        %dma_wait3A_75 = tpu.memref_squeeze %dma_wait3A_74 : memref<1x104xi32, #tpu.memory_space<vmem>> -> memref<104xi32, #tpu.memory_space<vmem>>
        %dma_wait3A_76 = arith.constant 0 : i32
        %dma_wait3A_77 = arith.constant 0 : i32
        %dma_wait3A_78 = tpu.memref_slice %arg11[%dma_wait3A_76, %dma_wait3A_77] : memref<10008x128xf32, #tpu.memory_space<vmem_shared>> -> memref<10008x128xf32, #tpu.memory_space<vmem_shared>>
        tpu.wait_indirect_dma semaphore(%run_scoped3A_66 : memref<!tpu.dma_semaphore, #tpu.memory_space<semaphore_mem>>) src(%arg9 : memref<104x128xf32, #tpu.memory_space<vmem>>) dst(%dma_wait3A_78 : memref<10008x128xf32, #tpu.memory_space<vmem_shared>>)
        tpu.yield
      }) : () -> ()
      %add3A_51 = arith.constant 2 : i32
      %add3A_52 = arith.addi %mul3A_37, %add3A_51 : i32
      %mul3A_53 = arith.constant 104 : i32
      %mul3A_54 = arith.muli %add3A_52, %mul3A_53 : i32
      %dma_start3A_55 = tpu.memref_slice %arg7[%mul3A_54] : memref<10088xi32, #tpu.memory_space<vmem>> -> memref<104xi32, #tpu.memory_space<vmem>>
      %dma_start3A_56 = arith.constant 0 : i32
      %dma_start3A_57 = arith.constant 0 : i32
      %dma_start3A_58 = tpu.memref_slice %arg2[%dma_start3A_56, %dma_start3A_57] : memref<10016x128xf32, #tpu.memory_space<hbm>> -> memref<10016x128xf32, #tpu.memory_space<hbm>>
      tpu.enqueue_indirect_dma source(%dma_start3A_58 : memref<10016x128xf32, #tpu.memory_space<hbm>>) target(%arg9 : memref<104x128xf32, #tpu.memory_space<vmem>>) offsets(%dma_start3A_55 : memref<104xi32, #tpu.memory_space<vmem>>) semaphore(%arg12 : memref<!tpu.dma_semaphore, #tpu.memory_space<semaphore_mem>>)
      %dma_wait3A_59 = arith.constant 0 : i32
      %dma_wait3A_60 = tpu.memref_slice %arg7[%dma_wait3A_59] : memref<10088xi32, #tpu.memory_space<vmem>> -> memref<104xi32, #tpu.memory_space<vmem>>
      %dma_wait3A_61 = arith.constant 0 : i32
      %dma_wait3A_62 = arith.constant 0 : i32
      %dma_wait3A_63 = tpu.memref_slice %arg2[%dma_wait3A_61, %dma_wait3A_62] : memref<10016x128xf32, #tpu.memory_space<hbm>> -> memref<10016x128xf32, #tpu.memory_space<hbm>>
      tpu.wait_indirect_dma semaphore(%arg13 : memref<!tpu.dma_semaphore, #tpu.memory_space<semaphore_mem>>) src(%dma_wait3A_63 : memref<10016x128xf32, #tpu.memory_space<hbm>>) dst(%arg10 : memref<104x128xf32, #tpu.memory_space<vmem>>)
      %add3A_64 = arith.constant 1 : i32
      %add3A_65 = arith.addi %mul3A_37, %add3A_64 : i32
      "tpu.region"() ({
        %run_scoped3A_66 = tpu.sem_alloc : memref<!tpu.dma_semaphore, #tpu.memory_space<semaphore_mem>>
        %dma_start3A_67 = arith.constant 0 : i32
        %dma_start3A_68 = tpu.memref_slice %arg8[%add3A_65, %dma_start3A_67] : memref<97x104xi32, #tpu.memory_space<vmem>> -> memref<1x104xi32, #tpu.memory_space<vmem>>
        %dma_start3A_69 = tpu.memref_squeeze %dma_start3A_68 : memref<1x104xi32, #tpu.memory_space<vmem>> -> memref<104xi32, #tpu.memory_space<vmem>>
        %dma_start3A_70 = arith.constant 0 : i32
        %dma_start3A_71 = arith.constant 0 : i32
        %dma_start3A_72 = tpu.memref_slice %arg11[%dma_start3A_70, %dma_start3A_71] : memref<10008x128xf32, #tpu.memory_space<vmem_shared>> -> memref<10008x128xf32, #tpu.memory_space<vmem_shared>>
        tpu.enqueue_indirect_dma source(%arg10 : memref<104x128xf32, #tpu.memory_space<vmem>>) target(%dma_start3A_72 : memref<10008x128xf32, #tpu.memory_space<vmem_shared>>) offsets(%dma_start3A_69 : memref<104xi32, #tpu.memory_space<vmem>>) semaphore(%run_scoped3A_66 : memref<!tpu.dma_semaphore, #tpu.memory_space<semaphore_mem>>) {add = true}
        %dma_wait3A_73 = arith.constant 0 : i32
        %dma_wait3A_74 = tpu.memref_slice %arg8[%add3A_65, %dma_wait3A_73] : memref<97x104xi32, #tpu.memory_space<vmem>> -> memref<1x104xi32, #tpu.memory_space<vmem>>
        %dma_wait3A_75 = tpu.memref_squeeze %dma_wait3A_74 : memref<1x104xi32, #tpu.memory_space<vmem>> -> memref<104xi32, #tpu.memory_space<vmem>>
        %dma_wait3A_76 = arith.constant 0 : i32
        %dma_wait3A_77 = arith.constant 0 : i32
        %dma_wait3A_78 = tpu.memref_slice %arg11[%dma_wait3A_76, %dma_wait3A_77] : memref<10008x128xf32, #tpu.memory_space<vmem_shared>> -> memref<10008x128xf32, #tpu.memory_space<vmem_shared>>
        tpu.wait_indirect_dma semaphore(%run_scoped3A_66 : memref<!tpu.dma_semaphore, #tpu.memory_space<semaphore_mem>>) src(%arg10 : memref<104x128xf32, #tpu.memory_space<vmem>>) dst(%dma_wait3A_78 : memref<10008x128xf32, #tpu.memory_space<vmem_shared>>)
        tpu.yield
      }) : () -> ()
    }
    %scan3A_19 = arith.constant 48 : i32
    %dma_wait3A = arith.constant 0 : i32
    %dma_wait3A_20 = tpu.memref_slice %arg7[%dma_wait3A] : memref<10088xi32, #tpu.memory_space<vmem>> -> memref<104xi32, #tpu.memory_space<vmem>>
    %dma_wait3A_21 = arith.constant 0 : i32
    %dma_wait3A_22 = arith.constant 0 : i32
    %dma_wait3A_23 = tpu.memref_slice %arg2[%dma_wait3A_21, %dma_wait3A_22] : memref<10016x128xf32, #tpu.memory_space<hbm>> -> memref<10016x128xf32, #tpu.memory_space<hbm>>
    tpu.wait_indirect_dma semaphore(%arg12 : memref<!tpu.dma_semaphore, #tpu.memory_space<semaphore_mem>>) src(%dma_wait3A_23 : memref<10016x128xf32, #tpu.memory_space<hbm>>) dst(%arg9 : memref<104x128xf32, #tpu.memory_space<vmem>>)
    %run_scoped3A = arith.constant 96 : i32
    "tpu.region"() ({
      %run_scoped3A_35 = tpu.sem_alloc : memref<!tpu.dma_semaphore, #tpu.memory_space<semaphore_mem>>
      %dma_start3A_36 = arith.constant 0 : i32
      %dma_start3A_37 = tpu.memref_slice %arg8[%run_scoped3A, %dma_start3A_36] : memref<97x104xi32, #tpu.memory_space<vmem>> -> memref<1x104xi32, #tpu.memory_space<vmem>>
      %dma_start3A_38 = tpu.memref_squeeze %dma_start3A_37 : memref<1x104xi32, #tpu.memory_space<vmem>> -> memref<104xi32, #tpu.memory_space<vmem>>
      %dma_start3A_39 = arith.constant 0 : i32
      %dma_start3A_40 = arith.constant 0 : i32
      %dma_start3A_41 = tpu.memref_slice %arg11[%dma_start3A_39, %dma_start3A_40] : memref<10008x128xf32, #tpu.memory_space<vmem_shared>> -> memref<10008x128xf32, #tpu.memory_space<vmem_shared>>
      tpu.enqueue_indirect_dma source(%arg9 : memref<104x128xf32, #tpu.memory_space<vmem>>) target(%dma_start3A_41 : memref<10008x128xf32, #tpu.memory_space<vmem_shared>>) offsets(%dma_start3A_38 : memref<104xi32, #tpu.memory_space<vmem>>) semaphore(%run_scoped3A_35 : memref<!tpu.dma_semaphore, #tpu.memory_space<semaphore_mem>>) {add = true}
      %dma_wait3A_42 = arith.constant 0 : i32
      %dma_wait3A_43 = tpu.memref_slice %arg8[%run_scoped3A, %dma_wait3A_42] : memref<97x104xi32, #tpu.memory_space<vmem>> -> memref<1x104xi32, #tpu.memory_space<vmem>>
      %dma_wait3A_44 = tpu.memref_squeeze %dma_wait3A_43 : memref<1x104xi32, #tpu.memory_space<vmem>> -> memref<104xi32, #tpu.memory_space<vmem>>
      %dma_wait3A_45 = arith.constant 0 : i32
      %dma_wait3A_46 = arith.constant 0 : i32
      %dma_wait3A_47 = tpu.memref_slice %arg11[%dma_wait3A_45, %dma_wait3A_46] : memref<10008x128xf32, #tpu.memory_space<vmem_shared>> -> memref<10008x128xf32, #tpu.memory_space<vmem_shared>>
      tpu.wait_indirect_dma semaphore(%run_scoped3A_35 : memref<!tpu.dma_semaphore, #tpu.memory_space<semaphore_mem>>) src(%arg9 : memref<104x128xf32, #tpu.memory_space<vmem>>) dst(%dma_wait3A_47 : memref<10008x128xf32, #tpu.memory_space<vmem_shared>>)
      tpu.yield
    }) : () -> ()
    %barrier3A_24 = arith.constant 0 : index
    tpu.barrier barrier_id(%barrier3A_24)
    %lt3A_25 = arith.constant 15 : i32
    %lt3A_26 = arith.cmpi slt, %arg1, %lt3A_25 : i32
    %convert_element_type3A_27 = arith.extui %lt3A_26 : i1 to i32
    %cond3A_28 = arith.constant 0 : i32
    %cond3A_29 = arith.cmpi ne, %convert_element_type3A_27, %cond3A_28 : i32
    scf.if %cond3A_29 {
      %mul3A_35 = arith.constant 632 : i32
      %mul3A_36 = arith.muli %arg1, %mul3A_35 : i32
      %mul3A_37 = arith.constant 632 : i32
      %mul3A_38 = arith.muli %arg1, %mul3A_37 : i32
      "tpu.region"() ({
        %run_scoped3A_39 = tpu.sem_alloc : memref<!tpu.dma_semaphore, #tpu.memory_space<semaphore_mem>>
        %dma_start3A_40 = arith.constant 0 : i32
        %dma_start3A_41 = tpu.memref_slice %arg6[%arg0, %mul3A_38, %dma_start3A_40] : memref<2x10000x128xf32, #tpu.memory_space<hbm>> -> memref<1x632x128xf32, #tpu.memory_space<hbm>>
        %dma_start3A_42 = tpu.memref_squeeze %dma_start3A_41 : memref<1x632x128xf32, #tpu.memory_space<hbm>> -> memref<632x128xf32, #tpu.memory_space<hbm>>
        %dma_start3A_43 = arith.constant 0 : i32
        %dma_start3A_44 = tpu.memref_slice %arg11[%mul3A_36, %dma_start3A_43] : memref<10008x128xf32, #tpu.memory_space<vmem_shared>> -> memref<632x128xf32, #tpu.memory_space<vmem_shared>>
        tpu.enqueue_dma source(%dma_start3A_44 : memref<632x128xf32, #tpu.memory_space<vmem_shared>>) target(%dma_start3A_42 : memref<632x128xf32, #tpu.memory_space<hbm>>) target_semaphore(%run_scoped3A_39 : memref<!tpu.dma_semaphore, #tpu.memory_space<semaphore_mem>>)
        %dma_wait3A_45 = arith.constant 0 : i32
        %dma_wait3A_46 = tpu.memref_slice %arg6[%arg0, %mul3A_38, %dma_wait3A_45] : memref<2x10000x128xf32, #tpu.memory_space<hbm>> -> memref<1x632x128xf32, #tpu.memory_space<hbm>>
        %dma_wait3A_47 = tpu.memref_squeeze %dma_wait3A_46 : memref<1x632x128xf32, #tpu.memory_space<hbm>> -> memref<632x128xf32, #tpu.memory_space<hbm>>
        %dma_wait3A_48 = arith.constant 0 : i32
        %dma_wait3A_49 = tpu.memref_slice %arg11[%mul3A_36, %dma_wait3A_48] : memref<10008x128xf32, #tpu.memory_space<vmem_shared>> -> memref<632x128xf32, #tpu.memory_space<vmem_shared>>
        tpu.wait_dma2 semaphore(%run_scoped3A_39 : memref<!tpu.dma_semaphore, #tpu.memory_space<semaphore_mem>>) src(%dma_wait3A_49 : memref<632x128xf32, #tpu.memory_space<vmem_shared>>) dst(%dma_wait3A_47 : memref<632x128xf32, #tpu.memory_space<hbm>>)
        tpu.yield
      }) : () -> ()
    } else {
    }
    %eq3A_30 = arith.constant 15 : i32
    %eq3A_31 = arith.cmpi eq, %arg1, %eq3A_30 : i32
    %convert_element_type3A_32 = arith.extui %eq3A_31 : i1 to i32
    %cond3A_33 = arith.constant 0 : i32
    %cond3A_34 = arith.cmpi ne, %convert_element_type3A_32, %cond3A_33 : i32
    scf.if %cond3A_34 {
      "tpu.region"() ({
        %run_scoped3A_35 = tpu.sem_alloc : memref<!tpu.dma_semaphore, #tpu.memory_space<semaphore_mem>>
        %dma_start3A_36 = arith.constant 9480 : i32
        %dma_start3A_37 = arith.constant 0 : i32
        %dma_start3A_38 = tpu.memref_slice %arg6[%arg0, %dma_start3A_36, %dma_start3A_37] : memref<2x10000x128xf32, #tpu.memory_space<hbm>> -> memref<1x520x128xf32, #tpu.memory_space<hbm>>
        %dma_start3A_39 = tpu.memref_squeeze %dma_start3A_38 : memref<1x520x128xf32, #tpu.memory_space<hbm>> -> memref<520x128xf32, #tpu.memory_space<hbm>>
        %dma_start3A_40 = arith.constant 9480 : i32
        %dma_start3A_41 = arith.constant 0 : i32
        %dma_start3A_42 = tpu.memref_slice %arg11[%dma_start3A_40, %dma_start3A_41] : memref<10008x128xf32, #tpu.memory_space<vmem_shared>> -> memref<520x128xf32, #tpu.memory_space<vmem_shared>>
        tpu.enqueue_dma source(%dma_start3A_42 : memref<520x128xf32, #tpu.memory_space<vmem_shared>>) target(%dma_start3A_39 : memref<520x128xf32, #tpu.memory_space<hbm>>) target_semaphore(%run_scoped3A_35 : memref<!tpu.dma_semaphore, #tpu.memory_space<semaphore_mem>>)
        %dma_wait3A_43 = arith.constant 9480 : i32
        %dma_wait3A_44 = arith.constant 0 : i32
        %dma_wait3A_45 = tpu.memref_slice %arg6[%arg0, %dma_wait3A_43, %dma_wait3A_44] : memref<2x10000x128xf32, #tpu.memory_space<hbm>> -> memref<1x520x128xf32, #tpu.memory_space<hbm>>
        %dma_wait3A_46 = tpu.memref_squeeze %dma_wait3A_45 : memref<1x520x128xf32, #tpu.memory_space<hbm>> -> memref<520x128xf32, #tpu.memory_space<hbm>>
        %dma_wait3A_47 = arith.constant 9480 : i32
        %dma_wait3A_48 = arith.constant 0 : i32
        %dma_wait3A_49 = tpu.memref_slice %arg11[%dma_wait3A_47, %dma_wait3A_48] : memref<10008x128xf32, #tpu.memory_space<vmem_shared>> -> memref<520x128xf32, #tpu.memory_space<vmem_shared>>
        tpu.wait_dma2 semaphore(%run_scoped3A_35 : memref<!tpu.dma_semaphore, #tpu.memory_space<semaphore_mem>>) src(%dma_wait3A_49 : memref<520x128xf32, #tpu.memory_space<vmem_shared>>) dst(%dma_wait3A_46 : memref<520x128xf32, #tpu.memory_space<hbm>>)
        tpu.yield
      }) : () -> ()
    } else {
    }
    return
  }
}

#map = affine_map<(d0, d1) -> (0, 0)>
#map1 = affine_map<(d0, d1) -> (0)>
#map2 = affine_map<(d0, d1) -> (0, 0, 0)>
module attributes {stable_mosaic.version = 14 : i64} {
  func.func @agg(%arg0: i32, %arg1: i32, %arg2: memref<10016x48xf32, #tpu.memory_space<hbm>>, %arg3: memref<322816xi32, #tpu.memory_space<hbm>>, %arg4: memref<32x97x104xi32, #tpu.memory_space<hbm>>, %arg5: memref<632x48xf32, #tpu.memory_space<hbm>>, %arg6: memref<2x10000x48xf32, #tpu.memory_space<hbm>>, %arg7: memref<10088xi32, #tpu.memory_space<vmem>>, %arg8: memref<97x104xi32, #tpu.memory_space<vmem>>, %arg9: memref<104x48xf32, #tpu.memory_space<vmem>>, %arg10: memref<104x48xf32, #tpu.memory_space<vmem>>, %arg11: memref<10008x48xf32, #tpu.memory_space<vmem_shared>>, %arg12: memref<!tpu.dma_semaphore, #tpu.memory_space<semaphore_mem>>, %arg13: memref<!tpu.dma_semaphore, #tpu.memory_space<semaphore_mem>>) attributes {dimension_semantics = [#tpu.dimension_semantics<core_parallel>, #tpu.dimension_semantics<subcore_parallel>], iteration_bounds = array<i64: 2, 16>, scalar_prefetch = 0 : i64, scratch_operands = 7 : i64, tpu.core_type = #tpu.core_type<sc_vector_subcore>, window_params = [{transform_indices = #map}, {transform_indices = #map1}, {transform_indices = #map2}, {transform_indices = #map}, {transform_indices = #map2}]} {
    %mul3A = arith.constant 2 : i32
    %mul3A_0 = arith.muli %arg1, %mul3A : i32
    %add3A = arith.addi %mul3A_0, %arg0 : i32
    %lt3A = arith.constant 15 : i32
    %lt3A_1 = arith.cmpi slt, %arg1, %lt3A : i32
    %convert_element_type3A = arith.extui %lt3A_1 : i1 to i32
    %cond3A = arith.constant 0 : i32
    %cond3A_2 = arith.cmpi ne, %convert_element_type3A, %cond3A : i32
    scf.if %cond3A_2 {
      %mul3A_35 = arith.constant 632 : i32
      %mul3A_36 = arith.muli %arg1, %mul3A_35 : i32
      "tpu.region"() ({
        %run_scoped3A_37 = tpu.sem_alloc : memref<!tpu.dma_semaphore, #tpu.memory_space<semaphore_mem>>
        %dma_start3A_38 = arith.constant 0 : i32
        %dma_start3A_39 = tpu.memref_slice %arg11[%mul3A_36, %dma_start3A_38] : memref<10008x48xf32, #tpu.memory_space<vmem_shared>> -> memref<632x48xf32, #tpu.memory_space<vmem_shared>>
        %dma_start3A_40 = arith.constant 0 : i32
        %dma_start3A_41 = arith.constant 0 : i32
        %dma_start3A_42 = tpu.memref_slice %arg5[%dma_start3A_40, %dma_start3A_41] : memref<632x48xf32, #tpu.memory_space<hbm>> -> memref<632x48xf32, #tpu.memory_space<hbm>>
        tpu.enqueue_dma source(%dma_start3A_42 : memref<632x48xf32, #tpu.memory_space<hbm>>) target(%dma_start3A_39 : memref<632x48xf32, #tpu.memory_space<vmem_shared>>) target_semaphore(%run_scoped3A_37 : memref<!tpu.dma_semaphore, #tpu.memory_space<semaphore_mem>>)
        %dma_wait3A_43 = arith.constant 0 : i32
        %dma_wait3A_44 = tpu.memref_slice %arg11[%mul3A_36, %dma_wait3A_43] : memref<10008x48xf32, #tpu.memory_space<vmem_shared>> -> memref<632x48xf32, #tpu.memory_space<vmem_shared>>
        %dma_wait3A_45 = arith.constant 0 : i32
        %dma_wait3A_46 = arith.constant 0 : i32
        %dma_wait3A_47 = tpu.memref_slice %arg5[%dma_wait3A_45, %dma_wait3A_46] : memref<632x48xf32, #tpu.memory_space<hbm>> -> memref<632x48xf32, #tpu.memory_space<hbm>>
        tpu.wait_dma2 semaphore(%run_scoped3A_37 : memref<!tpu.dma_semaphore, #tpu.memory_space<semaphore_mem>>) src(%dma_wait3A_47 : memref<632x48xf32, #tpu.memory_space<hbm>>) dst(%dma_wait3A_44 : memref<632x48xf32, #tpu.memory_space<vmem_shared>>)
        tpu.yield
      }) : () -> ()
    } else {
    }
    %eq3A = arith.constant 15 : i32
    %eq3A_3 = arith.cmpi eq, %arg1, %eq3A : i32
    %convert_element_type3A_4 = arith.extui %eq3A_3 : i1 to i32
    %cond3A_5 = arith.constant 0 : i32
    %cond3A_6 = arith.cmpi ne, %convert_element_type3A_4, %cond3A_5 : i32
    scf.if %cond3A_6 {
      "tpu.region"() ({
        %run_scoped3A_35 = tpu.sem_alloc : memref<!tpu.dma_semaphore, #tpu.memory_space<semaphore_mem>>
        %dma_start3A_36 = arith.constant 9480 : i32
        %dma_start3A_37 = arith.constant 0 : i32
        %dma_start3A_38 = tpu.memref_slice %arg11[%dma_start3A_36, %dma_start3A_37] : memref<10008x48xf32, #tpu.memory_space<vmem_shared>> -> memref<520x48xf32, #tpu.memory_space<vmem_shared>>
        %dma_start3A_39 = arith.constant 0 : i32
        %dma_start3A_40 = arith.constant 0 : i32
        %dma_start3A_41 = tpu.memref_slice %arg5[%dma_start3A_39, %dma_start3A_40] : memref<632x48xf32, #tpu.memory_space<hbm>> -> memref<520x48xf32, #tpu.memory_space<hbm>>
        tpu.enqueue_dma source(%dma_start3A_41 : memref<520x48xf32, #tpu.memory_space<hbm>>) target(%dma_start3A_38 : memref<520x48xf32, #tpu.memory_space<vmem_shared>>) target_semaphore(%run_scoped3A_35 : memref<!tpu.dma_semaphore, #tpu.memory_space<semaphore_mem>>)
        %dma_wait3A_42 = arith.constant 9480 : i32
        %dma_wait3A_43 = arith.constant 0 : i32
        %dma_wait3A_44 = tpu.memref_slice %arg11[%dma_wait3A_42, %dma_wait3A_43] : memref<10008x48xf32, #tpu.memory_space<vmem_shared>> -> memref<520x48xf32, #tpu.memory_space<vmem_shared>>
        %dma_wait3A_45 = arith.constant 0 : i32
        %dma_wait3A_46 = arith.constant 0 : i32
        %dma_wait3A_47 = tpu.memref_slice %arg5[%dma_wait3A_45, %dma_wait3A_46] : memref<632x48xf32, #tpu.memory_space<hbm>> -> memref<520x48xf32, #tpu.memory_space<hbm>>
        tpu.wait_dma2 semaphore(%run_scoped3A_35 : memref<!tpu.dma_semaphore, #tpu.memory_space<semaphore_mem>>) src(%dma_wait3A_47 : memref<520x48xf32, #tpu.memory_space<hbm>>) dst(%dma_wait3A_44 : memref<520x48xf32, #tpu.memory_space<vmem_shared>>)
        tpu.yield
      }) : () -> ()
    } else {
    }
    %mul3A_7 = arith.constant 97 : i32
    %mul3A_8 = arith.muli %add3A, %mul3A_7 : i32
    %mul3A_9 = arith.constant 104 : i32
    %mul3A_10 = arith.muli %mul3A_8, %mul3A_9 : i32
    "tpu.region"() ({
      %run_scoped3A_35 = tpu.sem_alloc : memref<!tpu.dma_semaphore, #tpu.memory_space<semaphore_mem>>
      %dma_start3A_36 = tpu.memref_slice %arg3[%mul3A_10] : memref<322816xi32, #tpu.memory_space<hbm>> -> memref<10088xi32, #tpu.memory_space<hbm>>
      %dma_start3A_37 = tpu.memref_slice %arg3[%mul3A_10] : memref<322816xi32, #tpu.memory_space<hbm>> -> memref<10088xi32, #tpu.memory_space<hbm>>
      tpu.enqueue_dma source(%dma_start3A_37 : memref<10088xi32, #tpu.memory_space<hbm>>) target(%arg7 : memref<10088xi32, #tpu.memory_space<vmem>>) target_semaphore(%run_scoped3A_35 : memref<!tpu.dma_semaphore, #tpu.memory_space<semaphore_mem>>)
      %dma_wait3A_38 = tpu.memref_slice %arg3[%mul3A_10] : memref<322816xi32, #tpu.memory_space<hbm>> -> memref<10088xi32, #tpu.memory_space<hbm>>
      %dma_wait3A_39 = tpu.memref_slice %arg3[%mul3A_10] : memref<322816xi32, #tpu.memory_space<hbm>> -> memref<10088xi32, #tpu.memory_space<hbm>>
      tpu.wait_dma2 semaphore(%run_scoped3A_35 : memref<!tpu.dma_semaphore, #tpu.memory_space<semaphore_mem>>) src(%dma_wait3A_39 : memref<10088xi32, #tpu.memory_space<hbm>>) dst(%arg7 : memref<10088xi32, #tpu.memory_space<vmem>>)
      tpu.yield
    }) : () -> ()
    "tpu.region"() ({
      %run_scoped3A_35 = tpu.sem_alloc : memref<!tpu.dma_semaphore, #tpu.memory_space<semaphore_mem>>
      %dma_start3A_36 = arith.constant 0 : i32
      %dma_start3A_37 = arith.constant 0 : i32
      %dma_start3A_38 = tpu.memref_slice %arg4[%add3A, %dma_start3A_36, %dma_start3A_37] : memref<32x97x104xi32, #tpu.memory_space<hbm>> -> memref<1x97x104xi32, #tpu.memory_space<hbm>>
      %dma_start3A_39 = tpu.memref_squeeze %dma_start3A_38 : memref<1x97x104xi32, #tpu.memory_space<hbm>> -> memref<97x104xi32, #tpu.memory_space<hbm>>
      %dma_start3A_40 = arith.constant 0 : i32
      %dma_start3A_41 = arith.constant 0 : i32
      %dma_start3A_42 = tpu.memref_slice %arg4[%add3A, %dma_start3A_40, %dma_start3A_41] : memref<32x97x104xi32, #tpu.memory_space<hbm>> -> memref<1x97x104xi32, #tpu.memory_space<hbm>>
      %dma_start3A_43 = tpu.memref_squeeze %dma_start3A_42 : memref<1x97x104xi32, #tpu.memory_space<hbm>> -> memref<97x104xi32, #tpu.memory_space<hbm>>
      tpu.enqueue_dma source(%dma_start3A_43 : memref<97x104xi32, #tpu.memory_space<hbm>>) target(%arg8 : memref<97x104xi32, #tpu.memory_space<vmem>>) target_semaphore(%run_scoped3A_35 : memref<!tpu.dma_semaphore, #tpu.memory_space<semaphore_mem>>)
      %dma_wait3A_44 = arith.constant 0 : i32
      %dma_wait3A_45 = arith.constant 0 : i32
      %dma_wait3A_46 = tpu.memref_slice %arg4[%add3A, %dma_wait3A_44, %dma_wait3A_45] : memref<32x97x104xi32, #tpu.memory_space<hbm>> -> memref<1x97x104xi32, #tpu.memory_space<hbm>>
      %dma_wait3A_47 = tpu.memref_squeeze %dma_wait3A_46 : memref<1x97x104xi32, #tpu.memory_space<hbm>> -> memref<97x104xi32, #tpu.memory_space<hbm>>
      %dma_wait3A_48 = arith.constant 0 : i32
      %dma_wait3A_49 = arith.constant 0 : i32
      %dma_wait3A_50 = tpu.memref_slice %arg4[%add3A, %dma_wait3A_48, %dma_wait3A_49] : memref<32x97x104xi32, #tpu.memory_space<hbm>> -> memref<1x97x104xi32, #tpu.memory_space<hbm>>
      %dma_wait3A_51 = tpu.memref_squeeze %dma_wait3A_50 : memref<1x97x104xi32, #tpu.memory_space<hbm>> -> memref<97x104xi32, #tpu.memory_space<hbm>>
      tpu.wait_dma2 semaphore(%run_scoped3A_35 : memref<!tpu.dma_semaphore, #tpu.memory_space<semaphore_mem>>) src(%dma_wait3A_51 : memref<97x104xi32, #tpu.memory_space<hbm>>) dst(%arg8 : memref<97x104xi32, #tpu.memory_space<vmem>>)
      tpu.yield
    }) : () -> ()
    %barrier3A = arith.constant 0 : index
    tpu.barrier barrier_id(%barrier3A)
    %dma_start3A = arith.constant 0 : i32
    %dma_start3A_11 = tpu.memref_slice %arg7[%dma_start3A] : memref<10088xi32, #tpu.memory_space<vmem>> -> memref<104xi32, #tpu.memory_space<vmem>>
    %dma_start3A_12 = arith.constant 0 : i32
    %dma_start3A_13 = arith.constant 0 : i32
    %dma_start3A_14 = tpu.memref_slice %arg2[%dma_start3A_12, %dma_start3A_13] : memref<10016x48xf32, #tpu.memory_space<hbm>> -> memref<10016x48xf32, #tpu.memory_space<hbm>>
    tpu.enqueue_indirect_dma source(%dma_start3A_14 : memref<10016x48xf32, #tpu.memory_space<hbm>>) target(%arg9 : memref<104x48xf32, #tpu.memory_space<vmem>>) offsets(%dma_start3A_11 : memref<104xi32, #tpu.memory_space<vmem>>) semaphore(%arg12 : memref<!tpu.dma_semaphore, #tpu.memory_space<semaphore_mem>>)
    %scan3A = arith.constant 0 : i32
    %scan3A_15 = arith.constant 0 : i32
    %scan3A_16 = arith.constant 48 : i32
    %scan3A_17 = arith.addi %scan3A_15, %scan3A_16 : i32
    %scan3A_18 = arith.constant 1 : i32
    scf.for %scan3A_35 = %scan3A_15 to %scan3A_17 step %scan3A_18  : i32 {
      %mul3A_36 = arith.constant 2 : i32
      %mul3A_37 = arith.muli %mul3A_36, %scan3A_35 : i32
      %add3A_38 = arith.constant 1 : i32
      %add3A_39 = arith.addi %mul3A_37, %add3A_38 : i32
      %mul3A_40 = arith.constant 104 : i32
      %mul3A_41 = arith.muli %add3A_39, %mul3A_40 : i32
      %dma_start3A_42 = tpu.memref_slice %arg7[%mul3A_41] : memref<10088xi32, #tpu.memory_space<vmem>> -> memref<104xi32, #tpu.memory_space<vmem>>
      %dma_start3A_43 = arith.constant 0 : i32
      %dma_start3A_44 = arith.constant 0 : i32
      %dma_start3A_45 = tpu.memref_slice %arg2[%dma_start3A_43, %dma_start3A_44] : memref<10016x48xf32, #tpu.memory_space<hbm>> -> memref<10016x48xf32, #tpu.memory_space<hbm>>
      tpu.enqueue_indirect_dma source(%dma_start3A_45 : memref<10016x48xf32, #tpu.memory_space<hbm>>) target(%arg10 : memref<104x48xf32, #tpu.memory_space<vmem>>) offsets(%dma_start3A_42 : memref<104xi32, #tpu.memory_space<vmem>>) semaphore(%arg13 : memref<!tpu.dma_semaphore, #tpu.memory_space<semaphore_mem>>)
      %dma_wait3A_46 = arith.constant 0 : i32
      %dma_wait3A_47 = tpu.memref_slice %arg7[%dma_wait3A_46] : memref<10088xi32, #tpu.memory_space<vmem>> -> memref<104xi32, #tpu.memory_space<vmem>>
      %dma_wait3A_48 = arith.constant 0 : i32
      %dma_wait3A_49 = arith.constant 0 : i32
      %dma_wait3A_50 = tpu.memref_slice %arg2[%dma_wait3A_48, %dma_wait3A_49] : memref<10016x48xf32, #tpu.memory_space<hbm>> -> memref<10016x48xf32, #tpu.memory_space<hbm>>
      tpu.wait_indirect_dma semaphore(%arg12 : memref<!tpu.dma_semaphore, #tpu.memory_space<semaphore_mem>>) src(%dma_wait3A_50 : memref<10016x48xf32, #tpu.memory_space<hbm>>) dst(%arg9 : memref<104x48xf32, #tpu.memory_space<vmem>>)
      "tpu.region"() ({
        %run_scoped3A_66 = tpu.sem_alloc : memref<!tpu.dma_semaphore, #tpu.memory_space<semaphore_mem>>
        %dma_start3A_67 = arith.constant 0 : i32
        %dma_start3A_68 = tpu.memref_slice %arg8[%mul3A_37, %dma_start3A_67] : memref<97x104xi32, #tpu.memory_space<vmem>> -> memref<1x104xi32, #tpu.memory_space<vmem>>
        %dma_start3A_69 = tpu.memref_squeeze %dma_start3A_68 : memref<1x104xi32, #tpu.memory_space<vmem>> -> memref<104xi32, #tpu.memory_space<vmem>>
        %dma_start3A_70 = arith.constant 0 : i32
        %dma_start3A_71 = arith.constant 0 : i32
        %dma_start3A_72 = tpu.memref_slice %arg11[%dma_start3A_70, %dma_start3A_71] : memref<10008x48xf32, #tpu.memory_space<vmem_shared>> -> memref<10008x48xf32, #tpu.memory_space<vmem_shared>>
        tpu.enqueue_indirect_dma source(%arg9 : memref<104x48xf32, #tpu.memory_space<vmem>>) target(%dma_start3A_72 : memref<10008x48xf32, #tpu.memory_space<vmem_shared>>) offsets(%dma_start3A_69 : memref<104xi32, #tpu.memory_space<vmem>>) semaphore(%run_scoped3A_66 : memref<!tpu.dma_semaphore, #tpu.memory_space<semaphore_mem>>) {add = true}
        %dma_wait3A_73 = arith.constant 0 : i32
        %dma_wait3A_74 = tpu.memref_slice %arg8[%mul3A_37, %dma_wait3A_73] : memref<97x104xi32, #tpu.memory_space<vmem>> -> memref<1x104xi32, #tpu.memory_space<vmem>>
        %dma_wait3A_75 = tpu.memref_squeeze %dma_wait3A_74 : memref<1x104xi32, #tpu.memory_space<vmem>> -> memref<104xi32, #tpu.memory_space<vmem>>
        %dma_wait3A_76 = arith.constant 0 : i32
        %dma_wait3A_77 = arith.constant 0 : i32
        %dma_wait3A_78 = tpu.memref_slice %arg11[%dma_wait3A_76, %dma_wait3A_77] : memref<10008x48xf32, #tpu.memory_space<vmem_shared>> -> memref<10008x48xf32, #tpu.memory_space<vmem_shared>>
        tpu.wait_indirect_dma semaphore(%run_scoped3A_66 : memref<!tpu.dma_semaphore, #tpu.memory_space<semaphore_mem>>) src(%arg9 : memref<104x48xf32, #tpu.memory_space<vmem>>) dst(%dma_wait3A_78 : memref<10008x48xf32, #tpu.memory_space<vmem_shared>>)
        tpu.yield
      }) : () -> ()
      %add3A_51 = arith.constant 2 : i32
      %add3A_52 = arith.addi %mul3A_37, %add3A_51 : i32
      %mul3A_53 = arith.constant 104 : i32
      %mul3A_54 = arith.muli %add3A_52, %mul3A_53 : i32
      %dma_start3A_55 = tpu.memref_slice %arg7[%mul3A_54] : memref<10088xi32, #tpu.memory_space<vmem>> -> memref<104xi32, #tpu.memory_space<vmem>>
      %dma_start3A_56 = arith.constant 0 : i32
      %dma_start3A_57 = arith.constant 0 : i32
      %dma_start3A_58 = tpu.memref_slice %arg2[%dma_start3A_56, %dma_start3A_57] : memref<10016x48xf32, #tpu.memory_space<hbm>> -> memref<10016x48xf32, #tpu.memory_space<hbm>>
      tpu.enqueue_indirect_dma source(%dma_start3A_58 : memref<10016x48xf32, #tpu.memory_space<hbm>>) target(%arg9 : memref<104x48xf32, #tpu.memory_space<vmem>>) offsets(%dma_start3A_55 : memref<104xi32, #tpu.memory_space<vmem>>) semaphore(%arg12 : memref<!tpu.dma_semaphore, #tpu.memory_space<semaphore_mem>>)
      %dma_wait3A_59 = arith.constant 0 : i32
      %dma_wait3A_60 = tpu.memref_slice %arg7[%dma_wait3A_59] : memref<10088xi32, #tpu.memory_space<vmem>> -> memref<104xi32, #tpu.memory_space<vmem>>
      %dma_wait3A_61 = arith.constant 0 : i32
      %dma_wait3A_62 = arith.constant 0 : i32
      %dma_wait3A_63 = tpu.memref_slice %arg2[%dma_wait3A_61, %dma_wait3A_62] : memref<10016x48xf32, #tpu.memory_space<hbm>> -> memref<10016x48xf32, #tpu.memory_space<hbm>>
      tpu.wait_indirect_dma semaphore(%arg13 : memref<!tpu.dma_semaphore, #tpu.memory_space<semaphore_mem>>) src(%dma_wait3A_63 : memref<10016x48xf32, #tpu.memory_space<hbm>>) dst(%arg10 : memref<104x48xf32, #tpu.memory_space<vmem>>)
      %add3A_64 = arith.constant 1 : i32
      %add3A_65 = arith.addi %mul3A_37, %add3A_64 : i32
      "tpu.region"() ({
        %run_scoped3A_66 = tpu.sem_alloc : memref<!tpu.dma_semaphore, #tpu.memory_space<semaphore_mem>>
        %dma_start3A_67 = arith.constant 0 : i32
        %dma_start3A_68 = tpu.memref_slice %arg8[%add3A_65, %dma_start3A_67] : memref<97x104xi32, #tpu.memory_space<vmem>> -> memref<1x104xi32, #tpu.memory_space<vmem>>
        %dma_start3A_69 = tpu.memref_squeeze %dma_start3A_68 : memref<1x104xi32, #tpu.memory_space<vmem>> -> memref<104xi32, #tpu.memory_space<vmem>>
        %dma_start3A_70 = arith.constant 0 : i32
        %dma_start3A_71 = arith.constant 0 : i32
        %dma_start3A_72 = tpu.memref_slice %arg11[%dma_start3A_70, %dma_start3A_71] : memref<10008x48xf32, #tpu.memory_space<vmem_shared>> -> memref<10008x48xf32, #tpu.memory_space<vmem_shared>>
        tpu.enqueue_indirect_dma source(%arg10 : memref<104x48xf32, #tpu.memory_space<vmem>>) target(%dma_start3A_72 : memref<10008x48xf32, #tpu.memory_space<vmem_shared>>) offsets(%dma_start3A_69 : memref<104xi32, #tpu.memory_space<vmem>>) semaphore(%run_scoped3A_66 : memref<!tpu.dma_semaphore, #tpu.memory_space<semaphore_mem>>) {add = true}
        %dma_wait3A_73 = arith.constant 0 : i32
        %dma_wait3A_74 = tpu.memref_slice %arg8[%add3A_65, %dma_wait3A_73] : memref<97x104xi32, #tpu.memory_space<vmem>> -> memref<1x104xi32, #tpu.memory_space<vmem>>
        %dma_wait3A_75 = tpu.memref_squeeze %dma_wait3A_74 : memref<1x104xi32, #tpu.memory_space<vmem>> -> memref<104xi32, #tpu.memory_space<vmem>>
        %dma_wait3A_76 = arith.constant 0 : i32
        %dma_wait3A_77 = arith.constant 0 : i32
        %dma_wait3A_78 = tpu.memref_slice %arg11[%dma_wait3A_76, %dma_wait3A_77] : memref<10008x48xf32, #tpu.memory_space<vmem_shared>> -> memref<10008x48xf32, #tpu.memory_space<vmem_shared>>
        tpu.wait_indirect_dma semaphore(%run_scoped3A_66 : memref<!tpu.dma_semaphore, #tpu.memory_space<semaphore_mem>>) src(%arg10 : memref<104x48xf32, #tpu.memory_space<vmem>>) dst(%dma_wait3A_78 : memref<10008x48xf32, #tpu.memory_space<vmem_shared>>)
        tpu.yield
      }) : () -> ()
    }
    %scan3A_19 = arith.constant 48 : i32
    %dma_wait3A = arith.constant 0 : i32
    %dma_wait3A_20 = tpu.memref_slice %arg7[%dma_wait3A] : memref<10088xi32, #tpu.memory_space<vmem>> -> memref<104xi32, #tpu.memory_space<vmem>>
    %dma_wait3A_21 = arith.constant 0 : i32
    %dma_wait3A_22 = arith.constant 0 : i32
    %dma_wait3A_23 = tpu.memref_slice %arg2[%dma_wait3A_21, %dma_wait3A_22] : memref<10016x48xf32, #tpu.memory_space<hbm>> -> memref<10016x48xf32, #tpu.memory_space<hbm>>
    tpu.wait_indirect_dma semaphore(%arg12 : memref<!tpu.dma_semaphore, #tpu.memory_space<semaphore_mem>>) src(%dma_wait3A_23 : memref<10016x48xf32, #tpu.memory_space<hbm>>) dst(%arg9 : memref<104x48xf32, #tpu.memory_space<vmem>>)
    %run_scoped3A = arith.constant 96 : i32
    "tpu.region"() ({
      %run_scoped3A_35 = tpu.sem_alloc : memref<!tpu.dma_semaphore, #tpu.memory_space<semaphore_mem>>
      %dma_start3A_36 = arith.constant 0 : i32
      %dma_start3A_37 = tpu.memref_slice %arg8[%run_scoped3A, %dma_start3A_36] : memref<97x104xi32, #tpu.memory_space<vmem>> -> memref<1x104xi32, #tpu.memory_space<vmem>>
      %dma_start3A_38 = tpu.memref_squeeze %dma_start3A_37 : memref<1x104xi32, #tpu.memory_space<vmem>> -> memref<104xi32, #tpu.memory_space<vmem>>
      %dma_start3A_39 = arith.constant 0 : i32
      %dma_start3A_40 = arith.constant 0 : i32
      %dma_start3A_41 = tpu.memref_slice %arg11[%dma_start3A_39, %dma_start3A_40] : memref<10008x48xf32, #tpu.memory_space<vmem_shared>> -> memref<10008x48xf32, #tpu.memory_space<vmem_shared>>
      tpu.enqueue_indirect_dma source(%arg9 : memref<104x48xf32, #tpu.memory_space<vmem>>) target(%dma_start3A_41 : memref<10008x48xf32, #tpu.memory_space<vmem_shared>>) offsets(%dma_start3A_38 : memref<104xi32, #tpu.memory_space<vmem>>) semaphore(%run_scoped3A_35 : memref<!tpu.dma_semaphore, #tpu.memory_space<semaphore_mem>>) {add = true}
      %dma_wait3A_42 = arith.constant 0 : i32
      %dma_wait3A_43 = tpu.memref_slice %arg8[%run_scoped3A, %dma_wait3A_42] : memref<97x104xi32, #tpu.memory_space<vmem>> -> memref<1x104xi32, #tpu.memory_space<vmem>>
      %dma_wait3A_44 = tpu.memref_squeeze %dma_wait3A_43 : memref<1x104xi32, #tpu.memory_space<vmem>> -> memref<104xi32, #tpu.memory_space<vmem>>
      %dma_wait3A_45 = arith.constant 0 : i32
      %dma_wait3A_46 = arith.constant 0 : i32
      %dma_wait3A_47 = tpu.memref_slice %arg11[%dma_wait3A_45, %dma_wait3A_46] : memref<10008x48xf32, #tpu.memory_space<vmem_shared>> -> memref<10008x48xf32, #tpu.memory_space<vmem_shared>>
      tpu.wait_indirect_dma semaphore(%run_scoped3A_35 : memref<!tpu.dma_semaphore, #tpu.memory_space<semaphore_mem>>) src(%arg9 : memref<104x48xf32, #tpu.memory_space<vmem>>) dst(%dma_wait3A_47 : memref<10008x48xf32, #tpu.memory_space<vmem_shared>>)
      tpu.yield
    }) : () -> ()
    %barrier3A_24 = arith.constant 0 : index
    tpu.barrier barrier_id(%barrier3A_24)
    %lt3A_25 = arith.constant 15 : i32
    %lt3A_26 = arith.cmpi slt, %arg1, %lt3A_25 : i32
    %convert_element_type3A_27 = arith.extui %lt3A_26 : i1 to i32
    %cond3A_28 = arith.constant 0 : i32
    %cond3A_29 = arith.cmpi ne, %convert_element_type3A_27, %cond3A_28 : i32
    scf.if %cond3A_29 {
      %mul3A_35 = arith.constant 632 : i32
      %mul3A_36 = arith.muli %arg1, %mul3A_35 : i32
      %mul3A_37 = arith.constant 632 : i32
      %mul3A_38 = arith.muli %arg1, %mul3A_37 : i32
      "tpu.region"() ({
        %run_scoped3A_39 = tpu.sem_alloc : memref<!tpu.dma_semaphore, #tpu.memory_space<semaphore_mem>>
        %dma_start3A_40 = arith.constant 0 : i32
        %dma_start3A_41 = tpu.memref_slice %arg6[%arg0, %mul3A_38, %dma_start3A_40] : memref<2x10000x48xf32, #tpu.memory_space<hbm>> -> memref<1x632x48xf32, #tpu.memory_space<hbm>>
        %dma_start3A_42 = tpu.memref_squeeze %dma_start3A_41 : memref<1x632x48xf32, #tpu.memory_space<hbm>> -> memref<632x48xf32, #tpu.memory_space<hbm>>
        %dma_start3A_43 = arith.constant 0 : i32
        %dma_start3A_44 = tpu.memref_slice %arg11[%mul3A_36, %dma_start3A_43] : memref<10008x48xf32, #tpu.memory_space<vmem_shared>> -> memref<632x48xf32, #tpu.memory_space<vmem_shared>>
        tpu.enqueue_dma source(%dma_start3A_44 : memref<632x48xf32, #tpu.memory_space<vmem_shared>>) target(%dma_start3A_42 : memref<632x48xf32, #tpu.memory_space<hbm>>) target_semaphore(%run_scoped3A_39 : memref<!tpu.dma_semaphore, #tpu.memory_space<semaphore_mem>>)
        %dma_wait3A_45 = arith.constant 0 : i32
        %dma_wait3A_46 = tpu.memref_slice %arg6[%arg0, %mul3A_38, %dma_wait3A_45] : memref<2x10000x48xf32, #tpu.memory_space<hbm>> -> memref<1x632x48xf32, #tpu.memory_space<hbm>>
        %dma_wait3A_47 = tpu.memref_squeeze %dma_wait3A_46 : memref<1x632x48xf32, #tpu.memory_space<hbm>> -> memref<632x48xf32, #tpu.memory_space<hbm>>
        %dma_wait3A_48 = arith.constant 0 : i32
        %dma_wait3A_49 = tpu.memref_slice %arg11[%mul3A_36, %dma_wait3A_48] : memref<10008x48xf32, #tpu.memory_space<vmem_shared>> -> memref<632x48xf32, #tpu.memory_space<vmem_shared>>
        tpu.wait_dma2 semaphore(%run_scoped3A_39 : memref<!tpu.dma_semaphore, #tpu.memory_space<semaphore_mem>>) src(%dma_wait3A_49 : memref<632x48xf32, #tpu.memory_space<vmem_shared>>) dst(%dma_wait3A_47 : memref<632x48xf32, #tpu.memory_space<hbm>>)
        tpu.yield
      }) : () -> ()
    } else {
    }
    %eq3A_30 = arith.constant 15 : i32
    %eq3A_31 = arith.cmpi eq, %arg1, %eq3A_30 : i32
    %convert_element_type3A_32 = arith.extui %eq3A_31 : i1 to i32
    %cond3A_33 = arith.constant 0 : i32
    %cond3A_34 = arith.cmpi ne, %convert_element_type3A_32, %cond3A_33 : i32
    scf.if %cond3A_34 {
      "tpu.region"() ({
        %run_scoped3A_35 = tpu.sem_alloc : memref<!tpu.dma_semaphore, #tpu.memory_space<semaphore_mem>>
        %dma_start3A_36 = arith.constant 9480 : i32
        %dma_start3A_37 = arith.constant 0 : i32
        %dma_start3A_38 = tpu.memref_slice %arg6[%arg0, %dma_start3A_36, %dma_start3A_37] : memref<2x10000x48xf32, #tpu.memory_space<hbm>> -> memref<1x520x48xf32, #tpu.memory_space<hbm>>
        %dma_start3A_39 = tpu.memref_squeeze %dma_start3A_38 : memref<1x520x48xf32, #tpu.memory_space<hbm>> -> memref<520x48xf32, #tpu.memory_space<hbm>>
        %dma_start3A_40 = arith.constant 9480 : i32
        %dma_start3A_41 = arith.constant 0 : i32
        %dma_start3A_42 = tpu.memref_slice %arg11[%dma_start3A_40, %dma_start3A_41] : memref<10008x48xf32, #tpu.memory_space<vmem_shared>> -> memref<520x48xf32, #tpu.memory_space<vmem_shared>>
        tpu.enqueue_dma source(%dma_start3A_42 : memref<520x48xf32, #tpu.memory_space<vmem_shared>>) target(%dma_start3A_39 : memref<520x48xf32, #tpu.memory_space<hbm>>) target_semaphore(%run_scoped3A_35 : memref<!tpu.dma_semaphore, #tpu.memory_space<semaphore_mem>>)
        %dma_wait3A_43 = arith.constant 9480 : i32
        %dma_wait3A_44 = arith.constant 0 : i32
        %dma_wait3A_45 = tpu.memref_slice %arg6[%arg0, %dma_wait3A_43, %dma_wait3A_44] : memref<2x10000x48xf32, #tpu.memory_space<hbm>> -> memref<1x520x48xf32, #tpu.memory_space<hbm>>
        %dma_wait3A_46 = tpu.memref_squeeze %dma_wait3A_45 : memref<1x520x48xf32, #tpu.memory_space<hbm>> -> memref<520x48xf32, #tpu.memory_space<hbm>>
        %dma_wait3A_47 = arith.constant 9480 : i32
        %dma_wait3A_48 = arith.constant 0 : i32
        %dma_wait3A_49 = tpu.memref_slice %arg11[%dma_wait3A_47, %dma_wait3A_48] : memref<10008x48xf32, #tpu.memory_space<vmem_shared>> -> memref<520x48xf32, #tpu.memory_space<vmem_shared>>
        tpu.wait_dma2 semaphore(%run_scoped3A_35 : memref<!tpu.dma_semaphore, #tpu.memory_space<semaphore_mem>>) src(%dma_wait3A_49 : memref<520x48xf32, #tpu.memory_space<vmem_shared>>) dst(%dma_wait3A_46 : memref<520x48xf32, #tpu.memory_space<hbm>>)
        tpu.yield
      }) : () -> ()
    } else {
    }
    return
  }
}

module attributes {stable_mosaic.version = 14 : i64} {
  func.func @body(%arg0: i32, %arg1: memref<2504x32xf32, #tpu.memory_space<vmem>>, %arg2: memref<2504x128xf32, #tpu.memory_space<vmem>>, %arg3: memref<2504x1xf32, #tpu.memory_space<vmem>>, %arg4: memref<2504x128xf32, #tpu.memory_space<vmem>>) attributes {dimension_semantics = [#tpu.dimension_semantics<arbitrary>], iteration_bounds = array<i64: 4>, scalar_prefetch = 0 : i64, scratch_operands = 0 : i64, tpu.core_type = #tpu.core_type<tc>, window_params = [{transform_indices = @transform_0, window_bounds = array<i64: 2504, 32>}, {transform_indices = @transform_1, window_bounds = array<i64: 2504, 128>}, {transform_indices = @transform_2, window_bounds = array<i64: 2504, 1>}, {transform_indices = @transform_3, window_bounds = array<i64: 2504, 128>}]} {
    %get3A = arith.constant 0 : index
    %get3A_0 = arith.constant 0 : index
    %get3A_1 = vector.load %arg1[%get3A, %get3A_0] : memref<2504x32xf32, #tpu.memory_space<vmem>>, vector<2504x32xf32>
    %reduce_sum3A = arith.constant dense<0.000000e+00> : vector<2504xf32>
    %reduce_sum3A_2 = vector.multi_reduction <add>, %get3A_1, %reduce_sum3A [1] : vector<2504x32xf32> to vector<2504xf32>
    %broadcast_in_dim3A = vector.shape_cast %reduce_sum3A_2 : vector<2504xf32> to vector<2504x1xf32>
    %add3A = arith.constant 1.000000e+00 : f32
    %add3A_3 = vector.broadcast %add3A : f32 to vector<2504x1xf32>
    %add3A_4 = arith.addf %broadcast_in_dim3A, %add3A_3 : vector<2504x1xf32>
    %rsqrt3A = math.rsqrt %add3A_4 : vector<2504x1xf32>
    %swap3A = arith.constant 0 : index
    %swap3A_5 = arith.constant 0 : index
    %swap3A_6 = vector.load %arg3[%swap3A, %swap3A_5] : memref<2504x1xf32, #tpu.memory_space<vmem>>, vector<2504x1xf32>
    tpu.vector_store %arg3[%swap3A, %swap3A_5], %rsqrt3A {strides = array<i32>} : memref<2504x1xf32, #tpu.memory_space<vmem>>, vector<2504x1xf32>,
    %get3A_7 = arith.constant 0 : index
    %get3A_8 = arith.constant 0 : index
    %get3A_9 = vector.load %arg2[%get3A_7, %get3A_8] : memref<2504x128xf32, #tpu.memory_space<vmem>>, vector<2504x128xf32>
    %mul3A = vector.broadcast %rsqrt3A : vector<2504x1xf32> to vector<2504x128xf32>
    %mul3A_10 = arith.mulf %get3A_9, %mul3A : vector<2504x128xf32>
    %swap3A_11 = arith.constant 0 : index
    %swap3A_12 = arith.constant 0 : index
    %swap3A_13 = vector.load %arg4[%swap3A_11, %swap3A_12] : memref<2504x128xf32, #tpu.memory_space<vmem>>, vector<2504x128xf32>
    tpu.vector_store %arg4[%swap3A_11, %swap3A_12], %mul3A_10 {strides = array<i32>} : memref<2504x128xf32, #tpu.memory_space<vmem>>, vector<2504x128xf32>,
    %eq3A = arith.constant 3 : i32
    %eq3A_14 = arith.cmpi eq, %arg0, %eq3A : i32
    %convert_element_type3A = arith.extui %eq3A_14 : i1 to i32
    %cond3A = arith.constant 0 : i32
    %cond3A_15 = arith.cmpi ne, %convert_element_type3A, %cond3A : i32
    scf.if %cond3A_15 {
      %broadcast_in_dim3A_16 = arith.constant 0.000000e+00 : f32
      %broadcast_in_dim3A_17 = vector.broadcast %broadcast_in_dim3A_16 : f32 to vector<16x128xf32>
      %swap3A_18 = arith.constant 2488 : index
      %swap3A_19 = arith.constant 0 : index
      %swap3A_20 = vector.load %arg4[%swap3A_18, %swap3A_19] : memref<2504x128xf32, #tpu.memory_space<vmem>>, vector<16x128xf32>
      tpu.vector_store %arg4[%swap3A_18, %swap3A_19], %broadcast_in_dim3A_17 {strides = array<i32>} : memref<2504x128xf32, #tpu.memory_space<vmem>>, vector<16x128xf32>,
    } else {
    }
    return
  }
  func.func @transform_0(%arg0: i32) -> (i32, i32) {
    %c0_i32 = arith.constant 0 : i32
    %c0_i32_0 = arith.constant 0 : i32
    return %arg0, %c0_i32 : i32, i32
  }
  func.func @transform_1(%arg0: i32) -> (i32, i32) {
    %c0_i32 = arith.constant 0 : i32
    %c0_i32_0 = arith.constant 0 : i32
    return %arg0, %c0_i32 : i32, i32
  }
  func.func @transform_2(%arg0: i32) -> (i32, i32) {
    %c0_i32 = arith.constant 0 : i32
    %c0_i32_0 = arith.constant 0 : i32
    return %arg0, %c0_i32 : i32, i32
  }
  func.func @transform_3(%arg0: i32) -> (i32, i32) {
    %c0_i32 = arith.constant 0 : i32
    %c0_i32_0 = arith.constant 0 : i32
    return %arg0, %c0_i32 : i32, i32
  }
}

module attributes {stable_mosaic.version = 14 : i64} {
  func.func @body(%arg0: i32, %arg1: memref<2x2504x128xf32, #tpu.memory_space<vmem>>, %arg2: memref<2504x128xf32, #tpu.memory_space<vmem>>, %arg3: memref<2504x1xf32, #tpu.memory_space<vmem>>, %arg4: memref<128x256xf32, #tpu.memory_space<vmem>>, %arg5: memref<1x256xf32, #tpu.memory_space<vmem>>, %arg6: memref<256x48xf32, #tpu.memory_space<vmem>>, %arg7: memref<2504x48xf32, #tpu.memory_space<vmem>>) attributes {dimension_semantics = [#tpu.dimension_semantics<arbitrary>], iteration_bounds = array<i64: 4>, scalar_prefetch = 0 : i64, scratch_operands = 0 : i64, tpu.core_type = #tpu.core_type<tc>, window_params = [{transform_indices = @transform_0, window_bounds = array<i64: 2, 2504, 128>}, {transform_indices = @transform_1, window_bounds = array<i64: 2504, 128>}, {transform_indices = @transform_2, window_bounds = array<i64: 2504, 1>}, {pipeline_mode = #tpu.pipeline_mode<synchronous>, transform_indices = @transform_3, window_bounds = array<i64: 128, 256>}, {pipeline_mode = #tpu.pipeline_mode<synchronous>, transform_indices = @transform_4, window_bounds = array<i64: 1, 256>}, {pipeline_mode = #tpu.pipeline_mode<synchronous>, transform_indices = @transform_5, window_bounds = array<i64: 256, 48>}, {transform_indices = @transform_6, window_bounds = array<i64: 2504, 48>}]} {
    %get3A = arith.constant 0 : index
    %get3A_0 = arith.constant 0 : index
    %get3A_1 = arith.constant 0 : index
    %get3A_2 = vector.load %arg1[%get3A, %get3A_0, %get3A_1] : memref<2x2504x128xf32, #tpu.memory_space<vmem>>, vector<1x2504x128xf32>
    %get3A_3 = vector.shape_cast %get3A_2 : vector<1x2504x128xf32> to vector<2504x128xf32>
    %get3A_4 = arith.constant 1 : index
    %get3A_5 = arith.constant 0 : index
    %get3A_6 = arith.constant 0 : index
    %get3A_7 = vector.load %arg1[%get3A_4, %get3A_5, %get3A_6] : memref<2x2504x128xf32, #tpu.memory_space<vmem>>, vector<1x2504x128xf32>
    %get3A_8 = vector.shape_cast %get3A_7 : vector<1x2504x128xf32> to vector<2504x128xf32>
    %add3A = arith.addf %get3A_3, %get3A_8 : vector<2504x128xf32>
    %get3A_9 = arith.constant 0 : index
    %get3A_10 = arith.constant 0 : index
    %get3A_11 = vector.load %arg2[%get3A_9, %get3A_10] : memref<2504x128xf32, #tpu.memory_space<vmem>>, vector<2504x128xf32>
    %add3A_12 = arith.addf %add3A, %get3A_11 : vector<2504x128xf32>
    %get3A_13 = arith.constant 0 : index
    %get3A_14 = arith.constant 0 : index
    %get3A_15 = vector.load %arg3[%get3A_13, %get3A_14] : memref<2504x1xf32, #tpu.memory_space<vmem>>, vector<2504x1xf32>
    %mul3A = vector.broadcast %get3A_15 : vector<2504x1xf32> to vector<2504x128xf32>
    %mul3A_16 = arith.mulf %add3A_12, %mul3A : vector<2504x128xf32>
    %get3A_17 = arith.constant 0 : index
    %get3A_18 = arith.constant 0 : index
    %get3A_19 = vector.load %arg4[%get3A_17, %get3A_18] : memref<128x256xf32, #tpu.memory_space<vmem>>, vector<128x256xf32>
    %dot_general3A = arith.constant dense<0.000000e+00> : vector<2504x256xf32>
    %dot_general3A_20 = tpu.matmul %mul3A_16, %get3A_19, %dot_general3A {dimension_numbers = #tpu.dot_dimension_numbers<[1], [0], [0], [1], [0, 0, 1, 1], [], []>, transpose_lhs_hint = false} : vector<2504x128xf32>, vector<128x256xf32>, vector<2504x256xf32> -> vector<2504x256xf32>
    %get3A_21 = arith.constant 0 : index
    %get3A_22 = arith.constant 0 : index
    %get3A_23 = vector.load %arg5[%get3A_21, %get3A_22] : memref<1x256xf32, #tpu.memory_space<vmem>>, vector<1x256xf32>
    %add3A_24 = vector.broadcast %get3A_23 : vector<1x256xf32> to vector<2504x256xf32>
    %add3A_25 = arith.addf %dot_general3A_20, %add3A_24 : vector<2504x256xf32>
    %max3A = arith.constant 0.000000e+00 : f32
    %max3A_26 = vector.broadcast %max3A : f32 to vector<2504x256xf32>
    %max3A_27 = arith.maximumf %add3A_25, %max3A_26 : vector<2504x256xf32>
    %get3A_28 = arith.constant 0 : index
    %get3A_29 = arith.constant 0 : index
    %get3A_30 = vector.load %arg6[%get3A_28, %get3A_29] : memref<256x48xf32, #tpu.memory_space<vmem>>, vector<256x48xf32>
    %dot_general3A_31 = arith.constant dense<0.000000e+00> : vector<2504x48xf32>
    %dot_general3A_32 = tpu.matmul %max3A_27, %get3A_30, %dot_general3A_31 {dimension_numbers = #tpu.dot_dimension_numbers<[1], [0], [0], [1], [0, 0, 1, 1], [], []>, transpose_lhs_hint = false} : vector<2504x256xf32>, vector<256x48xf32>, vector<2504x48xf32> -> vector<2504x48xf32>
    %get3A_33 = arith.constant 0 : index
    %get3A_34 = arith.constant 0 : index
    %get3A_35 = vector.load %arg3[%get3A_33, %get3A_34] : memref<2504x1xf32, #tpu.memory_space<vmem>>, vector<2504x1xf32>
    %mul3A_36 = vector.broadcast %get3A_35 : vector<2504x1xf32> to vector<2504x48xf32>
    %mul3A_37 = arith.mulf %dot_general3A_32, %mul3A_36 : vector<2504x48xf32>
    %swap3A = arith.constant 0 : index
    %swap3A_38 = arith.constant 0 : index
    %swap3A_39 = vector.load %arg7[%swap3A, %swap3A_38] : memref<2504x48xf32, #tpu.memory_space<vmem>>, vector<2504x48xf32>
    tpu.vector_store %arg7[%swap3A, %swap3A_38], %mul3A_37 {strides = array<i32>} : memref<2504x48xf32, #tpu.memory_space<vmem>>, vector<2504x48xf32>,
    %eq3A = arith.constant 3 : i32
    %eq3A_40 = arith.cmpi eq, %arg0, %eq3A : i32
    %convert_element_type3A = arith.extui %eq3A_40 : i1 to i32
    %cond3A = arith.constant 0 : i32
    %cond3A_41 = arith.cmpi ne, %convert_element_type3A, %cond3A : i32
    scf.if %cond3A_41 {
      %broadcast_in_dim3A = arith.constant 0.000000e+00 : f32
      %broadcast_in_dim3A_42 = vector.broadcast %broadcast_in_dim3A : f32 to vector<16x48xf32>
      %swap3A_43 = arith.constant 2488 : index
      %swap3A_44 = arith.constant 0 : index
      %swap3A_45 = vector.load %arg7[%swap3A_43, %swap3A_44] : memref<2504x48xf32, #tpu.memory_space<vmem>>, vector<16x48xf32>
      tpu.vector_store %arg7[%swap3A_43, %swap3A_44], %broadcast_in_dim3A_42 {strides = array<i32>} : memref<2504x48xf32, #tpu.memory_space<vmem>>, vector<16x48xf32>,
    } else {
    }
    return
  }
  func.func @transform_0(%arg0: i32) -> (i32, i32, i32) {
    %c0_i32 = arith.constant 0 : i32
    %c0_i32_0 = arith.constant 0 : i32
    %c0_i32_1 = arith.constant 0 : i32
    return %c0_i32, %arg0, %c0_i32_0 : i32, i32, i32
  }
  func.func @transform_1(%arg0: i32) -> (i32, i32) {
    %c0_i32 = arith.constant 0 : i32
    %c0_i32_0 = arith.constant 0 : i32
    return %arg0, %c0_i32 : i32, i32
  }
  func.func @transform_2(%arg0: i32) -> (i32, i32) {
    %c0_i32 = arith.constant 0 : i32
    %c0_i32_0 = arith.constant 0 : i32
    return %arg0, %c0_i32 : i32, i32
  }
  func.func @transform_3(%arg0: i32) -> (i32, i32) {
    %c0_i32 = arith.constant 0 : i32
    %c0_i32_0 = arith.constant 0 : i32
    %c0_i32_1 = arith.constant 0 : i32
    return %c0_i32, %c0_i32_0 : i32, i32
  }
  func.func @transform_4(%arg0: i32) -> (i32, i32) {
    %c0_i32 = arith.constant 0 : i32
    %c0_i32_0 = arith.constant 0 : i32
    %c0_i32_1 = arith.constant 0 : i32
    return %c0_i32, %c0_i32_0 : i32, i32
  }
  func.func @transform_5(%arg0: i32) -> (i32, i32) {
    %c0_i32 = arith.constant 0 : i32
    %c0_i32_0 = arith.constant 0 : i32
    %c0_i32_1 = arith.constant 0 : i32
    return %c0_i32, %c0_i32_0 : i32, i32
  }
  func.func @transform_6(%arg0: i32) -> (i32, i32) {
    %c0_i32 = arith.constant 0 : i32
    %c0_i32_0 = arith.constant 0 : i32
    return %arg0, %c0_i32 : i32, i32
  }
}

module attributes {stable_mosaic.version = 14 : i64} {
  func.func @body(%arg0: i32, %arg1: memref<2x1000x48xf32, #tpu.memory_space<vmem>>, %arg2: memref<1000x48xf32, #tpu.memory_space<vmem>>, %arg3: memref<1000x1xf32, #tpu.memory_space<vmem>>, %arg4: memref<1x40xf32, #tpu.memory_space<vmem>>, %arg5: memref<1000x40xf32, #tpu.memory_space<vmem>>) attributes {dimension_semantics = [#tpu.dimension_semantics<arbitrary>], iteration_bounds = array<i64: 10>, scalar_prefetch = 0 : i64, scratch_operands = 0 : i64, tpu.core_type = #tpu.core_type<tc>, window_params = [{transform_indices = @transform_0, window_bounds = array<i64: 2, 1000, 48>}, {transform_indices = @transform_1, window_bounds = array<i64: 1000, 48>}, {transform_indices = @transform_2, window_bounds = array<i64: 1000, 1>}, {pipeline_mode = #tpu.pipeline_mode<synchronous>, transform_indices = @transform_3, window_bounds = array<i64: 1, 40>}, {transform_indices = @transform_4, window_bounds = array<i64: 1000, 40>}]} {
    %get3A = arith.constant 0 : index
    %get3A_0 = arith.constant 0 : index
    %get3A_1 = arith.constant 0 : index
    %get3A_2 = vector.load %arg1[%get3A, %get3A_0, %get3A_1] : memref<2x1000x48xf32, #tpu.memory_space<vmem>>, vector<1x1000x48xf32>
    %get3A_3 = vector.shape_cast %get3A_2 : vector<1x1000x48xf32> to vector<1000x48xf32>
    %get3A_4 = arith.constant 1 : index
    %get3A_5 = arith.constant 0 : index
    %get3A_6 = arith.constant 0 : index
    %get3A_7 = vector.load %arg1[%get3A_4, %get3A_5, %get3A_6] : memref<2x1000x48xf32, #tpu.memory_space<vmem>>, vector<1x1000x48xf32>
    %get3A_8 = vector.shape_cast %get3A_7 : vector<1x1000x48xf32> to vector<1000x48xf32>
    %add3A = arith.addf %get3A_3, %get3A_8 : vector<1000x48xf32>
    %get3A_9 = arith.constant 0 : index
    %get3A_10 = arith.constant 0 : index
    %get3A_11 = vector.load %arg2[%get3A_9, %get3A_10] : memref<1000x48xf32, #tpu.memory_space<vmem>>, vector<1000x48xf32>
    %add3A_12 = arith.addf %add3A, %get3A_11 : vector<1000x48xf32>
    %get3A_13 = arith.constant 0 : index
    %get3A_14 = arith.constant 0 : index
    %get3A_15 = vector.load %arg3[%get3A_13, %get3A_14] : memref<1000x1xf32, #tpu.memory_space<vmem>>, vector<1000x1xf32>
    %mul3A = vector.broadcast %get3A_15 : vector<1000x1xf32> to vector<1000x48xf32>
    %mul3A_16 = arith.mulf %add3A_12, %mul3A : vector<1000x48xf32>
    %slice3A = vector.extract_strided_slice %mul3A_16 {offsets = [0, 0], sizes = [1000, 40], strides = [1, 1]} : vector<1000x48xf32> to vector<1000x40xf32>
    %get3A_17 = arith.constant 0 : index
    %get3A_18 = arith.constant 0 : index
    %get3A_19 = vector.load %arg4[%get3A_17, %get3A_18] : memref<1x40xf32, #tpu.memory_space<vmem>>, vector<1x40xf32>
    %add3A_20 = vector.broadcast %get3A_19 : vector<1x40xf32> to vector<1000x40xf32>
    %add3A_21 = arith.addf %slice3A, %add3A_20 : vector<1000x40xf32>
    %reduce_max3A = arith.constant dense<0xFF800000> : vector<1000xf32>
    %reduce_max3A_22 = vector.multi_reduction <maximumf>, %add3A_21, %reduce_max3A [1] : vector<1000x40xf32> to vector<1000xf32>
    %broadcast_in_dim3A = vector.shape_cast %reduce_max3A_22 : vector<1000xf32> to vector<1000x1xf32>
    %sub3A = vector.broadcast %broadcast_in_dim3A : vector<1000x1xf32> to vector<1000x40xf32>
    %sub3A_23 = arith.subf %add3A_21, %sub3A : vector<1000x40xf32>
    %exp3A = math.exp %sub3A_23 : vector<1000x40xf32>
    %reduce_sum3A = arith.constant dense<0.000000e+00> : vector<1000xf32>
    %reduce_sum3A_24 = vector.multi_reduction <add>, %exp3A, %reduce_sum3A [1] : vector<1000x40xf32> to vector<1000xf32>
    %broadcast_in_dim3A_25 = vector.shape_cast %reduce_sum3A_24 : vector<1000xf32> to vector<1000x1xf32>
    %log3A = math.log %broadcast_in_dim3A_25 : vector<1000x1xf32>
    %add3A_26 = arith.addf %log3A, %broadcast_in_dim3A : vector<1000x1xf32>
    %sub3A_27 = vector.broadcast %add3A_26 : vector<1000x1xf32> to vector<1000x40xf32>
    %sub3A_28 = arith.subf %add3A_21, %sub3A_27 : vector<1000x40xf32>
    %swap3A = arith.constant 0 : index
    %swap3A_29 = arith.constant 0 : index
    %swap3A_30 = vector.load %arg5[%swap3A, %swap3A_29] : memref<1000x40xf32, #tpu.memory_space<vmem>>, vector<1000x40xf32>
    tpu.vector_store %arg5[%swap3A, %swap3A_29], %sub3A_28 {strides = array<i32>} : memref<1000x40xf32, #tpu.memory_space<vmem>>, vector<1000x40xf32>,
    return
  }
  func.func @transform_0(%arg0: i32) -> (i32, i32, i32) {
    %c0_i32 = arith.constant 0 : i32
    %c0_i32_0 = arith.constant 0 : i32
    %c0_i32_1 = arith.constant 0 : i32
    return %c0_i32, %arg0, %c0_i32_0 : i32, i32, i32
  }
  func.func @transform_1(%arg0: i32) -> (i32, i32) {
    %c0_i32 = arith.constant 0 : i32
    %c0_i32_0 = arith.constant 0 : i32
    return %arg0, %c0_i32 : i32, i32
  }
  func.func @transform_2(%arg0: i32) -> (i32, i32) {
    %c0_i32 = arith.constant 0 : i32
    %c0_i32_0 = arith.constant 0 : i32
    return %arg0, %c0_i32 : i32, i32
  }
  func.func @transform_3(%arg0: i32) -> (i32, i32) {
    %c0_i32 = arith.constant 0 : i32
    %c0_i32_0 = arith.constant 0 : i32
    %c0_i32_1 = arith.constant 0 : i32
    return %c0_i32, %c0_i32_0 : i32, i32
  }
  func.func @transform_4(%arg0: i32) -> (i32, i32) {
    %c0_i32 = arith.constant 0 : i32
    %c0_i32_0 = arith.constant 0 : i32
    return %arg0, %c0_i32 : i32, i32
  }
}

</mosaic_0001>

<sc_bundles>
// kernel: kernel.11.cloned.1.call-start
scs
__scs_entry_jumppad:
0x0: {  	(pc) =	sbr.rel $0x88, $3  }
0x1: {  	(tag) =	ssettag $0x0;
	lr =	simm.s32 $0x1  }
0x2: {  	[smem:$0x3F9B] =	sst lr;
	_ =	strace $0xD0000000  }
0x3: {  	_ = 	snop  }
0x4: {  	_ = 	snop  }
0x5: {  	_ = 	snop  }
0x6: {  	_ = 	snop  }
0x7: {  	_ = 	snop  }
__scs_overlays_trampoline_lowered:
0x8: {  	[smem:$0x3FAA] =	sst s0  }
0x9: {  	[smem:$0x3FAB] =	sst s1  }
0xa: {  	[smem:$0x3FAC] =	sst s2  }
0xb: {  	[smem:$0x3FAD] =	sst s3  }
0xc: {  	[smem:$0x3FAE] =	sst s4  }
0xd: {  	[smem:$0x3FAF] =	sst s5  }
0xe: {  	[smem:$0x3FB0] =	sst s6  }
0xf: {  	[smem:$0x3FB1] =	sst s7  }
0x10: {  	[smem:$0x3FB2] =	sst s8  }
0x11: {  	[smem:$0x3FB3] =	sst s9;
	s0 =	simm.s32 @!p0 $0x0  }
0x12: {  	s1 =	sld [smem:$0x3F99];
	s0 =	simm.s32 @p0 $0x1  }
0x13: {  	[smem:$0x3FB4] =	sst s0;
	s0 =	simm.s32 @!p1 $0x0  }
0x14: {  	s2 =	sld [smem:$0x3F98];
	s0 =	simm.s32 @p1 $0x1  }
0x15: {  	[smem:$0x3FB5] =	sst s0;
	s0 =	simm.s32 @!p2 $0x0  }
0x16: {  	s3 =	sld [smem:$0x3FDB];
	s0 =	simm.s32 @p2 $0x1  }
0x17: {  	s4 =	simm.s32 $0x1BF5;
	[smem:$0x3FB7] =	sst s0  }
0x18: {  	s0 =	sld [smem:$0x3F9A];
	_ =	swait.ge [sflag:s4], $0x0  }
0x19: {  	s7 =	sld [smem:$0x3F9B]  }
0x1a: {  	s8 =	sadd.s32 $0xFFFFE003, lr  }
0x1b: {  	s9 =	sadd.s32 $0xFFFFFEF7, lr;
	s5 =	simm.s32 $0xFFFFFFFF;
	p2 =	slt.u32 s8, $0xFFFFF086  }
0x1c: {  	p1 =	slt.u32 s9, $0xF7A;
	s5 =	simm.s32 @!p2 $0x0  }
0x1d: {  	s5 =	simm.s32 @p1 $0x1;
	p0 =	seq.s32 s7, s2  }
0x1e: {  	s7 =	smul.u32 @!p0 $0xF7A, s2;
	p2 =	seq.s32 @!p0 s5, $0x0  }
0x1f: {  	s9 =	smul.u32 $0xF7A, s1;
	s8 =	simm.s32 @!p0 $0x1BF5;
	p2 =	por !p2, p0  }
0x20: {  	[sflag:s8] =	ssyncset.s32 @!p0 $0xFFFFF086;
	s6 =	sadd.s32 @!p0 s3, s7;
	s7 =	simm.s32 @!p0 $0x108  }
0x21: {  	s3 =	sadd.s32 s3, s9;
	s6 =	sadd.s32 @!p0 $0x88, s6;
	s7 =	simm.s32 @p2 $0x1082  }
0x22: {  	[simem:s7], [sflag:s8] =	dma.local @!p0 [hbm:s6], $0xF7A  }
0x23: {  	s9 =	sor.u32 $0xD0000000, s2;
	s6 =	simm.s32 $0x108;
	_ =	swait.ge @!p0 [sflag:s8], $0x0  }
0x24: {  	s3 =	sadd.s32 $0x88, s3;
	s6 =	simm.s32 @!p1 $0x1082;
	[sflag:s4] =	ssyncset.s32 $0xFFFFF086  }
0x25: {  	[simem:s6], [sflag:s4] =	dma.local [hbm:s3], $0xF7A  }
0x26: {  	[smem:$0x3F9B] =	sst s1;
	(tag) =	ssettag s2;
	_ =	strace s9  }
0x27: {  	s1 =	sld [smem:$0x3FAB]  }
0x28: {  	s2 =	sld [smem:$0x3FAC]  }
0x29: {  	s4 =	sld [smem:$0x3FAE]  }
0x2a: {  	p0 =	seq.s32 s5, $0x0;
	s5 =	sld [smem:$0x3FAF]  }
0x2b: {  	s6 =	sld [smem:$0x3FB0]  }
0x2c: {  	s7 =	sld [smem:$0x3FB1]  }
0x2d: {  	s3 =	simm.s32 $0x108;
	s8 =	sld [smem:$0x3FB2]  }
0x2e: {  	s3 =	simm.s32 @!p0 $0x1082;
	s9 =	sld [smem:$0x3FB3]  }
0x2f: {  	lr =	sadd.s32 s0, s3;
	s0 =	sld [smem:$0x3FAA]  }
0x30: {  	s3 =	sld [smem:$0x3FAD]  }
0x31: {  	[smem:$0x3FB6] =	sst s10  }
0x32: {  	s10 =	sld [smem:$0x3FB4];
	_ =	sdelay $0x3  }
0x33: {  	p0 =	seq.s32 s10, $0x1;
	s10 =	sld [smem:$0x3FB6];
	_ =	sdelay $0x3  }
0x34: {  	[smem:$0x3FB6] =	sst s10  }
0x35: {  	s10 =	sld [smem:$0x3FB5];
	_ =	sdelay $0x3  }
0x36: {  	p1 =	seq.s32 s10, $0x1;
	s10 =	sld [smem:$0x3FB6];
	_ =	sdelay $0x3  }
0x37: {  	[smem:$0x3FB6] =	sst s10  }
0x38: {  	s10 =	sld [smem:$0x3FB7]  }
0x39: {  	_ = 	snop;
	(pc) =	sbr.ind lr, $3  }
0x3a: {  	_ = 	snop  }
0x3b: {  	_ = 	snop  }
0x3c: {  	p2 =	seq.s32 s10, $0x1;
	s10 =	sld [smem:$0x3FB6]  }
0x3d: {  	_ =	shalt  }
0x3e: {  	_ =	shalt  }
0x3f: {  	_ =	shalt  }
0x40: {  	_ =	shalt  }
0x41: {  	_ =	shalt  }
0x42: {  	_ =	shalt  }
0x43: {  	_ =	shalt  }
0x44: {  	_ =	shalt  }
0x45: {  	_ =	shalt  }
0x46: {  	_ =	shalt  }
0x47: {  	_ =	shalt  }
0x48: {  	_ =	shalt  }
0x49: {  	_ =	shalt  }
0x4a: {  	_ =	shalt  }
0x4b: {  	_ =	shalt  }
0x4c: {  	_ =	shalt  }
0x4d: {  	_ =	shalt  }
0x4e: {  	_ =	shalt  }
0x4f: {  	_ =	shalt  }
0x50: {  	_ =	shalt  }
0x51: {  	_ =	shalt  }
0x52: {  	_ =	shalt  }
0x53: {  	_ =	shalt  }
0x54: {  	_ =	shalt  }
0x55: {  	_ =	shalt  }
0x56: {  	_ =	shalt  }
0x57: {  	_ =	shalt  }
0x58: {  	_ =	shalt  }
0x59: {  	_ =	shalt  }
0x5a: {  	_ =	shalt  }
0x5b: {  	_ =	shalt  }
0x5c: {  	_ =	shalt  }
0x5d: {  	_ =	shalt  }
0x5e: {  	_ =	shalt  }
0x5f: {  	_ =	shalt  }
0x60: {  	_ =	shalt  }
0x61: {  	_ =	shalt  }
0x62: {  	_ =	shalt  }
0x63: {  	_ =	shalt  }
0x64: {  	_ =	shalt  }
0x65: {  	_ =	shalt  }
0x66: {  	_ =	shalt  }
0x67: {  	_ =	shalt  }
0x68: {  	_ =	shalt  }
0x69: {  	_ =	shalt  }
0x6a: {  	_ =	shalt  }
0x6b: {  	_ =	shalt  }
0x6c: {  	_ =	shalt  }
0x6d: {  	_ =	shalt  }
0x6e: {  	_ =	shalt  }
0x6f: {  	_ =	shalt  }
0x70: {  	_ =	shalt  }
0x71: {  	_ =	shalt  }
0x72: {  	_ =	shalt  }
0x73: {  	_ =	shalt  }
0x74: {  	_ =	shalt  }
0x75: {  	_ =	shalt  }
0x76: {  	_ =	shalt  }
0x77: {  	_ =	shalt  }
0x78: {  	_ =	shalt  }
0x79: {  	_ =	shalt  }
0x7a: {  	_ =	shalt  }
0x7b: {  	_ =	shalt  }
0x7c: {  	_ =	shalt  }
0x7d: {  	_ =	shalt  }
0x7e: {  	_ =	shalt  }
0x7f: {  	_ =	shalt  }
0x80: {  	_ =	shalt  }
0x81: {  	_ =	shalt  }
0x82: {  	_ =	shalt  }
0x83: {  	_ =	shalt  }
0x84: {  	_ =	shalt  }
0x85: {  	_ =	shalt  }
0x86: {  	_ =	shalt  }
0x87: {  	_ =	shalt  }
.Lfunc_end0:
.L_simem_size_0:
called_computation.1_lowered:
.L_overlay_start_0:
0x88: {  	s2 =	sld [smem:$0x3FD9]  }
0x89: {  	s3 =	sld [smem:$0x3FFE];
	_ =	sdelay $0x1  }
0x8a: {  	s1 =	srdreg.scid  }
0x8b: {  	s0 =	sand.u32 $0x1, s1  }
0x8c: {  	s17 =	sshll.u32 s0, $0xA;
	s2 =	sadd.s32 s3, s2  }
0x8d: {  	s2 =	sadd.s32 s2, s17  }
0x8e: {  	[smem:$0x3FC2] =	sst s2  }
0x8f: {  	_ = 	snop  }
0x90: {  	s2 =	sld [smem:$0x3FD0];
	(tm) =	ssettm $0x1  }
0x91: {  	s18 =	sld [smem:$0x3FFB];
	_ =	sdelay $0x3  }
0x92: {  	_ =	strace s18  }
0x93: {  	s3 =	sld [smem:$0x3FFC];
	_ =	sdelay $0x3  }
0x94: {  	_ =	strace s3  }
0x95: {  	s3 =	sld [smem:$0x3FFD];
	_ =	sdelay $0x3  }
0x96: {  	_ =	strace s3  }
0x97: {  	_ =	strace $0x8FFFFFFF  }
0x98: {  	s19 =	sld [smem:$0x3FDB];
	_ =	sdelay $0x1  }
0x99: {  	s4 =	simm.s32 $_scs_section_size  }
0x9a: {  	s5 =	simm.s32 $_size__tile_overlayer_lowered;
	s6 =	simm.s32 $_tile_overlayer_lowered  }
0x9b: {  	s22 =	simm.s32 $0x1BFF;
	s21 =	sshll.u32 s6, $0x1;
	s3 =	sadd.s32 s4, s19  }
0x9c: {  	s7 =	simm.s32 $0x0;
	s20 =	sshll.u32 s5, $0x1;
	s5 =	sadd.s32 s21, s3  }
0x9d: {  	[timem:s7], [sflag:s22] =	dma.local [hbm:s5], s20  }
0x9e: {  	_ =	swait.ge [sflag:s22], s20  }
0x9f: {  	s4 =	ssub.s32 $0x0, s20;
	[sflag:s22] =	ssyncset.done $0x0  }
0xa0: {  	[sflag:s22] =	ssyncadd.s32 s4;
	_ =	sdelay $0x1  }
0xa1: {  	s23 =	simm.s32 $0x1B8B  }
0xa2: {  	_ =	swait.ge [sflag:s23], $0x1  }
0xa3: {  	[sflag:s23] =	ssyncset.done $0x0  }
0xa4: {  	s25 =	simm.s32 $0x1B8E;
	s24 =	sld [smem:$0x3FFE];
	[sflag:s23] =	ssyncadd.s32 $0xFFFFFFFF  }
0xa5: {  	s26 =	simm.s32 $execute0_lowered;
	[smem:$0x3FD2] =	sst s25  }
0xa6: {  	s5 =	sshll.u32 s26, $0x1;
	_ =	strace $0x80000049;
	[dreg:$0x1] =	wrdreg $0xFFFFFFFF  }
0xa7: {  	s28 =	simm.s32 $_size_execute0_lowered;
	s3 =	sadd.s32 s3, s5;
	[dreg:$0x0] =	wrdreg $0x0  }
0xa8: {  	s5 =	sshll.u32 s28, $0x1;
	[dreg:$0x2] =	wrdreg s3  }
0xa9: {  	[dreg:$0x3] =	wrdreg s5  }
0xaa: {  	[dreg:$0x4] =	wrdreg $0xC0  }
0xab: {  	_ =	task [dreg:s7], $0x5FFFF  }
0xac: {  	[dreg:$0x1] =	wrdreg $0xFFFFFFFF  }
0xad: {  	[dreg:$0x0] =	wrdreg $0x60  }
0xae: {  	[dreg:$0x2] =	wrdreg s24  }
0xaf: {  	[dreg:$0x3] =	wrdreg s2  }
0xb0: {  	[dreg:$0x4] =	wrdreg $0xC3800  }
0xb1: {  	[dreg:$0x5] =	wrdreg $0x9  }
0xb2: {  	_ =	task.clear_ibuf [dreg:s7], $0x6FFFF;
	_ =	strace $0x90000049  }
0xb3: {  	s29 =	simm.s32 $0x9;
	_ =	strace $0x8000004B  }
0xb4: {  	_ =	swait.ge [sflag:s29], $0x1  }
0xb5: {  	[sflag:s29] =	ssyncadd.s32 $0xFFFFFFFF  }
0xb6: {  	_ =	strace $0x9000004B  }
0xb7: {  	_ =	sfence  }
0xb8: {  	s30 =	sld [smem:$0x0];
	_ =	sdelay $0x2  }
0xb9: {  	s31 =	sshll.u32 s1, $0xD;
	s1 =	sshrl.u32 s1, $0x2  }
0xba: {  	s3 =	sand.u32 $0x4000, s31;
	s1 =	sadd.s32 s1, s30  }
0xbb: {  	s0 =	sor.u32 s3, s0;
	s1 =	sshll.u32 s1, $0x11  }
0xbc: {  	s0 =	sor.u32 s1, s0  }
0xbd: {  	s0 =	sadd.s32 $0x8F2B, s0  }
0xbe: {  	[sflag:s0] =	ssyncadd.remote.s32 $0x1  }
0xbf: {  	_ =	sfence.sel $0xFFFF  }
0xc0: {  	[dreg:$0x0] =	wrdreg $0xFFFFFFFF;
	(pc) =	sbr.abs _section_cstart, $3  }
0xc1: {  	[dreg:$0x1] =	wrdreg $0xFFFFFFFF  }
0xc2: {  	_ =	task.clear_ibuf [dreg:s7], $0x2FFFF;
	_ =	strace $0x9FFFFFFF  }
0xc3: {  	(tm) =	ssettm $0x7FFFFFFF  }
tec
execute0_lowered:
.L_overlay_start_1:
0x0: {  	(tag) =	ssettag $0x1  }
0x1: {  	s6 =	rddreg [dreg:$0x0]  }
0x2: {  	s7 =	rddreg [dreg:$0x1];
	s1 =	srdreg.scid  }
0x3: {  	s0 =	stileid.u32;
	s2 =	rddreg [dreg:$0x2]  }
0x4: {  	s3 =	simm.s32 $0x0;
	s17 =	simm.s32 $0x5B80;
	s18 =	simm.s32 $0x8F80  }
0x5: {  	s19 =	simm.s32 $0x1;
	s20 =	simm.s32 $0x2;
	s21 =	simm.s32 $0x5780  }
0x6: {  	s22 =	simm.s32 $0x0;
	s8 =	sand.u32 $0x1, s1;
	s1 =	rddreg [dreg:$0x3]  }
0x7: {  	s4 =	sshll.u32 s0, $0x1;
	[smem:$0x7FF] =	sst s3;
	s10 =	smul.u32 $0x4F000, s0  }
0x8: {  	s14 =	smul.u32 $0x13C00, s0;
	s15 =	sadd.s32 $0x5CA00, s6;
	s16 =	sadd.s32 $0x128400, s2  }
0x9: {  	s5 =	sor.u32 s8, s4;
	s12 =	ssub.s32 $0x2, s8;
	s8 =	smul.u32 $0x138800, s8  }
0xa: {  	p0 =	seq.s32 s0, $0xF;
	_ =	strace $0x8000004A;
	s9 =	smul.u32 $0x680, s5  }
0xb: {  	s4 =	sadd.s32 $0x35800, s6;
	s11 =	smul.u32 $0x4ED, s5;
	s13 =	sshrl.u32 s12, $0x1  }
0xc: {  	s5 =	sadd.s32 $0x12400, s6;
	s10 =	sshrl.u32 s10, $0x2;
	s12 =	ssub.s32 s12, s13  }
0xd: {  	s13 =	sadd.s32 s10, s2;
	s28 =	sadd.s32 s14, s8;
	s30 =	sshrl.u32 s8, $0x3  }
0xe: {  	s14 =	simm.s32 $0x3;
	s9 =	sadd.s32 s9, s6;
	s6 =	sadd.s32 s7, s11  }
0xf: {  	s29 =	sshrl.u32 s28, $0x3;
	s31 =	sadd.s32 s15, s30;
	s10 =	smax.u32 s12, $0x1  }
0x10: {  	s12 =	sshll.u32 @!p0 s0, $0x6;
	s11 =	sshrl.u32 @p0 s16, $0x3;
	s13 =	sshrl.u32 @!p0 s13, $0x3  }
0x11: {  	s16 =	simm.s32 $0x68;
	s7 =	sadd.s32 $0x28800, s9;
	s8 =	sadd.s32 s15, s29  }
0x12: {  	s9 =	sadd.s32 $0x25080, s31;
	s12 =	sor.u32 @!p0 $0x1C03, s12;
	s15 =	simm.s32 $0x2780  }
.LBB2_1:
0x13: {  	s23 =	simm.s32 @p0 $0x1FC3  }
0x14: {  	[spmem:s11], [sflag:s23] =	dma.local @p0 [hbm:s5], $0x2080  }
0x15: {  	s23 =	simm.s32 @p0 $0x3  }
0x16: {  	_ =	swait.ge @p0 [sflag:s23], $0x2080  }
0x17: {  	[sflag:s23] =	ssyncset.done @p0 $0x0  }
0x18: {  	[sflag:s23] =	ssyncadd.s32 @p0 $0xFFFFDF80;
	s23 =	simm.s32 @!p0 $0x3  }
0x19: {  	[spmem:s13], [sflag:s12] =	dma.local @!p0 [hbm:s5], $0x2780  }
0x1a: {  	_ =	swait.ge @!p0 [sflag:s23], $0x2780  }
0x1b: {  	[sflag:s23] =	ssyncset.done @!p0 $0x0  }
0x1c: {  	[sflag:s23] =	ssyncadd.s32 @!p0 $0xFFFFD880  }
0x1d: {  	[tilespmem:s3], [sflag:$0x3] =	stream.linear.gather [hbm4b:s6+s3], $0x2768, $0x38;
	[tilespmem:$0x1FC40] =	vst v63  }
0x1e: {  	_ =	swait.ge [sflag:s14], $0x2768  }
0x1f: {  	[sflag:s14] =	ssyncset.done $0x0  }
0x20: {  	[sflag:s14] =	ssyncadd.s32 $0xFFFFD898  }
0x21: {  	[tilespmem:s15], [sflag:$0x3] =	stream.linear.gather [hbm4b:s7+s3], $0x3080, $0x38;
	[tilespmem:$0x1FC40] =	vst v63  }
0x22: {  	_ =	swait.ge [sflag:s14], $0x3080  }
0x23: {  	[sflag:s14] =	ssyncset.done $0x0  }
0x24: {  	[sflag:s14] =	ssyncadd.s32 $0xFFFFCF80  }
0x25: {  	[bflag:$0x0] =	sbarrier.arrive $0xFFFF  }
0x26: {  	[tilespmem:s17], [sflag:$0x1] =	stream.indirect.gather [hbm4b:s4+s16], $0x80, s3, s16, $0xb8;
	[tilespmem:$0x1FC40] =	vst v63  }
0x27: {  	s28 =	simm.s32 $0x68  }
0x28: {  	[tilespmem:s18], [sflag:$0x2] =	stream.indirect.gather [hbm4b:s4+s16], $0x80, s28, s16, $0xb8;
	[tilespmem:$0x1FC40] =	vst v63  }
0x29: {  	_ =	swait.ge [sflag:s19], $0x3400  }
0x2a: {  	[sflag:s19] =	ssyncset.done $0x0  }
0x2b: {  	s29 =	simm.s32 $0x2780;
	[sflag:s19] =	ssyncadd.s32 $0xFFFFCC00  }
0x2c: {  	[spmem:s2] =	stream.indirect.scatter.add.f32 [tilespmem:s17], [sflag:$0x3], $0x80, s29, s16, $0xb8;
	[tilespmem:$0x1FC40] =	vst v63  }
0x2d: {  	_ =	swait.ge [sflag:s14], $0x3400  }
0x2e: {  	[sflag:s14] =	ssyncset.done $0x0  }
0x2f: {  	s30 =	simm.s32 $0xD0;
	[sflag:s14] =	ssyncadd.s32 $0xFFFFCC00  }
0x30: {  	[tilespmem:s17], [sflag:$0x1] =	stream.indirect.gather [hbm4b:s4+s16], $0x80, s30, s16, $0xb8;
	[tilespmem:$0x1FC40] =	vst v63  }
0x31: {  	_ =	swait.ge [sflag:s20], $0x3400  }
0x32: {  	[sflag:s20] =	ssyncset.done $0x0  }
0x33: {  	s31 =	simm.s32 $0x2800;
	[sflag:s20] =	ssyncadd.s32 $0xFFFFCC00  }
0x34: {  	[spmem:s2] =	stream.indirect.scatter.add.f32 [tilespmem:s18], [sflag:$0x3], $0x80, s31, s16, $0xb8;
	[tilespmem:$0x1FC40] =	vst v63  }
0x35: {  	s24 =	simm.s32 $0x400;
	_ =	swait.ge [sflag:s14], $0x3400  }
0x36: {  	s25 =	simm.s32 $0x800;
	s23 =	simm.s32 $0x1A0;
	[sflag:s14] =	ssyncset.done $0x0  }
.LBB2_2:
0x37: {  	p1 =	sne.s32 s25, $0xBC00;
	s26 =	sadd.s32 $0xFFFFFF98, s23;
	[sflag:s14] =	ssyncadd.s32 $0xFFFFCC00  }
0x38: {  	[tilespmem:s18], [sflag:$0x2] =	stream.indirect.gather [hbm4b:s4+s16], $0x80, s26, s16, $0xb8;
	[tilespmem:$0x1FC40] =	vst v63  }
0x39: {  	s26 =	smov.u32 s25;
	s25 =	sadd.s32 $0x400, s25;
	_ =	swait.ge [sflag:s19], $0x3400  }
0x3a: {  	s28 =	sshra.s32 s24, $0x2;
	s24 =	smov.u32 s26;
	[sflag:s19] =	ssyncset.done $0x0  }
0x3b: {  	s26 =	sadd.s32 $0x2780, s28;
	[sflag:s19] =	ssyncadd.s32 $0xFFFFCC00  }
0x3c: {  	[spmem:s2] =	stream.indirect.scatter.add.f32 [tilespmem:s17], [sflag:$0x3], $0x80, s26, s16, $0xb8;
	[tilespmem:$0x1FC40] =	vst v63  }
0x3d: {  	_ =	swait.ge [sflag:s14], $0x3400  }
0x3e: {  	[sflag:s14] =	ssyncset.done $0x0  }
0x3f: {  	[sflag:s14] =	ssyncadd.s32 $0xFFFFCC00  }
0x40: {  	[tilespmem:s17], [sflag:$0x1] =	stream.indirect.gather [hbm4b:s4+s16], $0x80, s23, s16, $0xb8;
	[tilespmem:$0x1FC40] =	vst v63  }
0x41: {  	_ =	swait.ge [sflag:s20], $0x3400  }
.Ltmp0:
0x42: {  	[sflag:s20] =	ssyncset.done $0x0;
	(pc) =	sbr.rel @p1 .LBB2_2-.Ltmp0, $4  }
0x43: {  	s26 =	sadd.s32 $0x2800, s28;
	[sflag:s20] =	ssyncadd.s32 $0xFFFFCC00  }
0x44: {  	[spmem:s2] =	stream.indirect.scatter.add.f32 [tilespmem:s18], [sflag:$0x3], $0x80, s26, s16, $0xb8;
	[tilespmem:$0x1FC40] =	vst v63  }
0x45: {  	_ =	swait.ge [sflag:s14], $0x3400  }
0x46: {  	s23 =	sadd.s32 $0xD0, s23;
	[sflag:s14] =	ssyncset.done $0x0  }
0x47: {  	s25 =	sadd.s32 $0xFFFFFF98, s23;
	[sflag:s14] =	ssyncadd.s32 $0xFFFFCC00  }
0x48: {  	[tilespmem:s18], [sflag:$0x2] =	stream.indirect.gather [hbm4b:s4+s16], $0x80, s25, s16, $0xb8;
	[tilespmem:$0x1FC40] =	vst v63  }
0x49: {  	_ =	swait.ge [sflag:s19], $0x3400  }
0x4a: {  	s24 =	sshra.s32 s24, $0x2;
	[sflag:s19] =	ssyncset.done $0x0  }
0x4b: {  	s30 =	sadd.s32 $0x2780, s24;
	[sflag:s19] =	ssyncadd.s32 $0xFFFFCC00  }
0x4c: {  	[spmem:s2] =	stream.indirect.scatter.add.f32 [tilespmem:s17], [sflag:$0x3], $0x80, s30, s16, $0xb8;
	[tilespmem:$0x1FC40] =	vst v63  }
0x4d: {  	_ =	swait.ge [sflag:s14], $0x3400  }
0x4e: {  	[sflag:s14] =	ssyncset.done $0x0  }
0x4f: {  	[sflag:s14] =	ssyncadd.s32 $0xFFFFCC00  }
0x50: {  	[tilespmem:s17], [sflag:$0x1] =	stream.indirect.gather [hbm4b:s4+s16], $0x80, s23, s16, $0xb8;
	[tilespmem:$0x1FC40] =	vst v63  }
0x51: {  	_ =	swait.ge [sflag:s20], $0x3400  }
0x52: {  	[sflag:s20] =	ssyncset.done $0x0  }
0x53: {  	s31 =	sadd.s32 $0x2800, s24;
	[sflag:s20] =	ssyncadd.s32 $0xFFFFCC00  }
0x54: {  	[spmem:s2] =	stream.indirect.scatter.add.f32 [tilespmem:s18], [sflag:$0x3], $0x80, s31, s16, $0xb8;
	[tilespmem:$0x1FC40] =	vst v63  }
0x55: {  	_ =	swait.ge [sflag:s14], $0x3400  }
0x56: {  	[sflag:s14] =	ssyncset.done $0x0  }
0x57: {  	[sflag:s14] =	ssyncadd.s32 $0xFFFFCC00  }
0x58: {  	_ =	swait.ge [sflag:s19], $0x3400  }
0x59: {  	[sflag:s19] =	ssyncset.done $0x0  }
0x5a: {  	[sflag:s19] =	ssyncadd.s32 $0xFFFFCC00  }
0x5b: {  	[spmem:s2] =	stream.indirect.scatter.add.f32 [tilespmem:s17], [sflag:$0x3], $0x80, s21, s16, $0xb8;
	[tilespmem:$0x1FC40] =	vst v63  }
0x5c: {  	_ =	swait.ge [sflag:s14], $0x3400  }
0x5d: {  	[sflag:s14] =	ssyncset.done $0x0  }
0x5e: {  	[sflag:s14] =	ssyncadd.s32 $0xFFFFCC00  }
0x5f: {  	s23 =	simm.s32 @p0 $0x1FC3;
	[bflag:$0x0] =	sbarrier.arrive $0xFFFF  }
0x60: {  	[hbm:s9], [sflag:s23] =	dma.local @p0 [spmem:s11], $0x2080  }
0x61: {  	s23 =	simm.s32 @p0 $0x3  }
0x62: {  	s22 =	sadd.s32 $0x1, s22;
	_ =	swait.ge @p0 [sflag:s23], $0x2080  }
0x63: {  	p1 =	sne.s32 s22, s10;
	[sflag:s23] =	ssyncset.done @p0 $0x0  }
.Ltmp1:
0x64: {  	[sflag:s23] =	ssyncadd.s32 @p0 $0xFFFFDF80;
	s23 =	simm.s32 @!p0 $0x3;
	(pc) =	sbr.rel @p1 .LBB2_1-.Ltmp1, $4  }
0x65: {  	[hbm:s8], [sflag:s12] =	dma.local @!p0 [spmem:s13], $0x2780  }
0x66: {  	_ =	swait.ge @!p0 [sflag:s23], $0x2780  }
0x67: {  	[sflag:s23] =	ssyncset.done @!p0 $0x0  }
0x68: {  	[sflag:s23] =	ssyncadd.s32 @!p0 $0xFFFFD880  }
0x69: {  	_ =	sfence.sel $0x180000  }
0x6a: {  	[bflag:$0x0] =	sbarrier.arrive $0xFFFF  }
0x6b: {  	p0 =	sne.s32 s0, $0x0;
	_ =	strace $0x9000004A  }
0x6c: {  	s0 =	sadd.s32 @!p0 $0x100000, s1;
	[bflag:$0x2] =	sbarrier.arrive $0xFFFF  }
0x6d: {  	[sflag:s0] =	ssyncadd.tile.s32 @!p0 $0x1;
	_ =	shalt  }
.Lfunc_end2:
_tile_overlayer_lowered:
.L_overlay_start_2:
0x6e: {  	(tag) =	ssettag $0x2  }
0x6f: {  	s0 =	rddreg [dreg:$0x0];
	s2 =	stileid.u32  }
0x70: {  	s1 =	rddreg [dreg:$0x1];
	p0 =	sne.s32 s2, $0x0  }
0x71: {  	s3 =	rddreg [dreg:$0x2];
	[bflag:$0x3] =	sbarrier.arrive $0xFFFF;
	s2 =	simm.s32 @!p0 $0x1C03  }
0x72: {  	[timem:s3], [sflag:s2] =	dma.local @!p0 [hbm:s0], s1  }
0x73: {  	s0 =	simm.s32 @!p0 $0x3  }
0x74: {  	_ =	swait.ge @!p0 [sflag:s0], s1  }
0x75: {  	s1 =	ssub.s32 @!p0 $0x0, s1;
	[sflag:s0] =	ssyncset.done @!p0 $0x0  }
0x76: {  	[sflag:s0] =	ssyncadd.s32 @!p0 s1  }
0x77: {  	[bflag:$0x3] =	sbarrier.arrive $0xFFFF  }
0x78: {  	_ =	shalt  }

// kernel: kernel.14.cloned.1.call-start
scs
__scs_entry_jumppad:
0x0: {  	(pc) =	sbr.rel $0x88, $3  }
0x1: {  	(tag) =	ssettag $0x0;
	lr =	simm.s32 $0x1  }
0x2: {  	[smem:$0x3F9B] =	sst lr;
	_ =	strace $0xD0000000  }
0x3: {  	_ = 	snop  }
0x4: {  	_ = 	snop  }
0x5: {  	_ = 	snop  }
0x6: {  	_ = 	snop  }
0x7: {  	_ = 	snop  }
__scs_overlays_trampoline_lowered:
0x8: {  	[smem:$0x3FAA] =	sst s0  }
0x9: {  	[smem:$0x3FAB] =	sst s1  }
0xa: {  	[smem:$0x3FAC] =	sst s2  }
0xb: {  	[smem:$0x3FAD] =	sst s3  }
0xc: {  	[smem:$0x3FAE] =	sst s4  }
0xd: {  	[smem:$0x3FAF] =	sst s5  }
0xe: {  	[smem:$0x3FB0] =	sst s6  }
0xf: {  	[smem:$0x3FB1] =	sst s7  }
0x10: {  	[smem:$0x3FB2] =	sst s8  }
0x11: {  	[smem:$0x3FB3] =	sst s9;
	s0 =	simm.s32 @!p0 $0x0  }
0x12: {  	s1 =	sld [smem:$0x3F99];
	s0 =	simm.s32 @p0 $0x1  }
0x13: {  	[smem:$0x3FB4] =	sst s0;
	s0 =	simm.s32 @!p1 $0x0  }
0x14: {  	s2 =	sld [smem:$0x3F98];
	s0 =	simm.s32 @p1 $0x1  }
0x15: {  	[smem:$0x3FB5] =	sst s0;
	s0 =	simm.s32 @!p2 $0x0  }
0x16: {  	s3 =	sld [smem:$0x3FDB];
	s0 =	simm.s32 @p2 $0x1  }
0x17: {  	s4 =	simm.s32 $0x1BF5;
	[smem:$0x3FB7] =	sst s0  }
0x18: {  	s0 =	sld [smem:$0x3F9A];
	_ =	swait.ge [sflag:s4], $0x0  }
0x19: {  	s7 =	sld [smem:$0x3F9B]  }
0x1a: {  	s8 =	sadd.s32 $0xFFFFE003, lr  }
0x1b: {  	s9 =	sadd.s32 $0xFFFFFEF7, lr;
	s5 =	simm.s32 $0xFFFFFFFF;
	p2 =	slt.u32 s8, $0xFFFFF086  }
0x1c: {  	p1 =	slt.u32 s9, $0xF7A;
	s5 =	simm.s32 @!p2 $0x0  }
0x1d: {  	s5 =	simm.s32 @p1 $0x1;
	p0 =	seq.s32 s7, s2  }
0x1e: {  	s7 =	smul.u32 @!p0 $0xF7A, s2;
	p2 =	seq.s32 @!p0 s5, $0x0  }
0x1f: {  	s9 =	smul.u32 $0xF7A, s1;
	s8 =	simm.s32 @!p0 $0x1BF5;
	p2 =	por !p2, p0  }
0x20: {  	[sflag:s8] =	ssyncset.s32 @!p0 $0xFFFFF086;
	s6 =	sadd.s32 @!p0 s3, s7;
	s7 =	simm.s32 @!p0 $0x108  }
0x21: {  	s3 =	sadd.s32 s3, s9;
	s6 =	sadd.s32 @!p0 $0x88, s6;
	s7 =	simm.s32 @p2 $0x1082  }
0x22: {  	[simem:s7], [sflag:s8] =	dma.local @!p0 [hbm:s6], $0xF7A  }
0x23: {  	s9 =	sor.u32 $0xD0000000, s2;
	s6 =	simm.s32 $0x108;
	_ =	swait.ge @!p0 [sflag:s8], $0x0  }
0x24: {  	s3 =	sadd.s32 $0x88, s3;
	s6 =	simm.s32 @!p1 $0x1082;
	[sflag:s4] =	ssyncset.s32 $0xFFFFF086  }
0x25: {  	[simem:s6], [sflag:s4] =	dma.local [hbm:s3], $0xF7A  }
0x26: {  	[smem:$0x3F9B] =	sst s1;
	(tag) =	ssettag s2;
	_ =	strace s9  }
0x27: {  	s1 =	sld [smem:$0x3FAB]  }
0x28: {  	s2 =	sld [smem:$0x3FAC]  }
0x29: {  	s4 =	sld [smem:$0x3FAE]  }
0x2a: {  	p0 =	seq.s32 s5, $0x0;
	s5 =	sld [smem:$0x3FAF]  }
0x2b: {  	s6 =	sld [smem:$0x3FB0]  }
0x2c: {  	s7 =	sld [smem:$0x3FB1]  }
0x2d: {  	s3 =	simm.s32 $0x108;
	s8 =	sld [smem:$0x3FB2]  }
0x2e: {  	s3 =	simm.s32 @!p0 $0x1082;
	s9 =	sld [smem:$0x3FB3]  }
0x2f: {  	lr =	sadd.s32 s0, s3;
	s0 =	sld [smem:$0x3FAA]  }
0x30: {  	s3 =	sld [smem:$0x3FAD]  }
0x31: {  	[smem:$0x3FB6] =	sst s10  }
0x32: {  	s10 =	sld [smem:$0x3FB4];
	_ =	sdelay $0x3  }
0x33: {  	p0 =	seq.s32 s10, $0x1;
	s10 =	sld [smem:$0x3FB6];
	_ =	sdelay $0x3  }
0x34: {  	[smem:$0x3FB6] =	sst s10  }
0x35: {  	s10 =	sld [smem:$0x3FB5];
	_ =	sdelay $0x3  }
0x36: {  	p1 =	seq.s32 s10, $0x1;
	s10 =	sld [smem:$0x3FB6];
	_ =	sdelay $0x3  }
0x37: {  	[smem:$0x3FB6] =	sst s10  }
0x38: {  	s10 =	sld [smem:$0x3FB7]  }
0x39: {  	_ = 	snop;
	(pc) =	sbr.ind lr, $3  }
0x3a: {  	_ = 	snop  }
0x3b: {  	_ = 	snop  }
0x3c: {  	p2 =	seq.s32 s10, $0x1;
	s10 =	sld [smem:$0x3FB6]  }
0x3d: {  	_ =	shalt  }
0x3e: {  	_ =	shalt  }
0x3f: {  	_ =	shalt  }
0x40: {  	_ =	shalt  }
0x41: {  	_ =	shalt  }
0x42: {  	_ =	shalt  }
0x43: {  	_ =	shalt  }
0x44: {  	_ =	shalt  }
0x45: {  	_ =	shalt  }
0x46: {  	_ =	shalt  }
0x47: {  	_ =	shalt  }
0x48: {  	_ =	shalt  }
0x49: {  	_ =	shalt  }
0x4a: {  	_ =	shalt  }
0x4b: {  	_ =	shalt  }
0x4c: {  	_ =	shalt  }
0x4d: {  	_ =	shalt  }
0x4e: {  	_ =	shalt  }
0x4f: {  	_ =	shalt  }
0x50: {  	_ =	shalt  }
0x51: {  	_ =	shalt  }
0x52: {  	_ =	shalt  }
0x53: {  	_ =	shalt  }
0x54: {  	_ =	shalt  }
0x55: {  	_ =	shalt  }
0x56: {  	_ =	shalt  }
0x57: {  	_ =	shalt  }
0x58: {  	_ =	shalt  }
0x59: {  	_ =	shalt  }
0x5a: {  	_ =	shalt  }
0x5b: {  	_ =	shalt  }
0x5c: {  	_ =	shalt  }
0x5d: {  	_ =	shalt  }
0x5e: {  	_ =	shalt  }
0x5f: {  	_ =	shalt  }
0x60: {  	_ =	shalt  }
0x61: {  	_ =	shalt  }
0x62: {  	_ =	shalt  }
0x63: {  	_ =	shalt  }
0x64: {  	_ =	shalt  }
0x65: {  	_ =	shalt  }
0x66: {  	_ =	shalt  }
0x67: {  	_ =	shalt  }
0x68: {  	_ =	shalt  }
0x69: {  	_ =	shalt  }
0x6a: {  	_ =	shalt  }
0x6b: {  	_ =	shalt  }
0x6c: {  	_ =	shalt  }
0x6d: {  	_ =	shalt  }
0x6e: {  	_ =	shalt  }
0x6f: {  	_ =	shalt  }
0x70: {  	_ =	shalt  }
0x71: {  	_ =	shalt  }
0x72: {  	_ =	shalt  }
0x73: {  	_ =	shalt  }
0x74: {  	_ =	shalt  }
0x75: {  	_ =	shalt  }
0x76: {  	_ =	shalt  }
0x77: {  	_ =	shalt  }
0x78: {  	_ =	shalt  }
0x79: {  	_ =	shalt  }
0x7a: {  	_ =	shalt  }
0x7b: {  	_ =	shalt  }
0x7c: {  	_ =	shalt  }
0x7d: {  	_ =	shalt  }
0x7e: {  	_ =	shalt  }
0x7f: {  	_ =	shalt  }
0x80: {  	_ =	shalt  }
0x81: {  	_ =	shalt  }
0x82: {  	_ =	shalt  }
0x83: {  	_ =	shalt  }
0x84: {  	_ =	shalt  }
0x85: {  	_ =	shalt  }
0x86: {  	_ =	shalt  }
0x87: {  	_ =	shalt  }
.Lfunc_end0:
.L_simem_size_0:
called_computation.2_lowered:
.L_overlay_start_0:
0x88: {  	s2 =	sld [smem:$0x3FD9]  }
0x89: {  	s3 =	sld [smem:$0x3FFE];
	_ =	sdelay $0x1  }
0x8a: {  	s1 =	srdreg.scid  }
0x8b: {  	s0 =	sand.u32 $0x1, s1  }
0x8c: {  	s17 =	sshll.u32 s0, $0xA;
	s2 =	sadd.s32 s3, s2  }
0x8d: {  	s2 =	sadd.s32 s2, s17  }
0x8e: {  	[smem:$0x3FC2] =	sst s2  }
0x8f: {  	_ = 	snop  }
0x90: {  	s2 =	sld [smem:$0x3FD0];
	(tm) =	ssettm $0x1  }
0x91: {  	s18 =	sld [smem:$0x3FFB];
	_ =	sdelay $0x3  }
0x92: {  	_ =	strace s18  }
0x93: {  	s3 =	sld [smem:$0x3FFC];
	_ =	sdelay $0x3  }
0x94: {  	_ =	strace s3  }
0x95: {  	s3 =	sld [smem:$0x3FFD];
	_ =	sdelay $0x3  }
0x96: {  	_ =	strace s3  }
0x97: {  	_ =	strace $0x8FFFFFFF  }
0x98: {  	s19 =	sld [smem:$0x3FDB];
	_ =	sdelay $0x1  }
0x99: {  	s4 =	simm.s32 $_scs_section_size  }
0x9a: {  	s5 =	simm.s32 $_size__tile_overlayer_lowered;
	s6 =	simm.s32 $_tile_overlayer_lowered  }
0x9b: {  	s22 =	simm.s32 $0x1BFF;
	s21 =	sshll.u32 s6, $0x1;
	s3 =	sadd.s32 s4, s19  }
0x9c: {  	s7 =	simm.s32 $0x0;
	s20 =	sshll.u32 s5, $0x1;
	s5 =	sadd.s32 s21, s3  }
0x9d: {  	[timem:s7], [sflag:s22] =	dma.local [hbm:s5], s20  }
0x9e: {  	_ =	swait.ge [sflag:s22], s20  }
0x9f: {  	s4 =	ssub.s32 $0x0, s20;
	[sflag:s22] =	ssyncset.done $0x0  }
0xa0: {  	[sflag:s22] =	ssyncadd.s32 s4;
	_ =	sdelay $0x1  }
0xa1: {  	s23 =	simm.s32 $0x1B8B  }
0xa2: {  	_ =	swait.ge [sflag:s23], $0x1  }
0xa3: {  	[sflag:s23] =	ssyncset.done $0x0  }
0xa4: {  	s25 =	simm.s32 $0x1B8E;
	s24 =	sld [smem:$0x3FFE];
	[sflag:s23] =	ssyncadd.s32 $0xFFFFFFFF  }
0xa5: {  	s26 =	simm.s32 $execute0_lowered;
	[smem:$0x3FD2] =	sst s25  }
0xa6: {  	s5 =	sshll.u32 s26, $0x1;
	_ =	strace $0x8000004C;
	[dreg:$0x1] =	wrdreg $0xFFFFFFFF  }
0xa7: {  	s28 =	simm.s32 $_size_execute0_lowered;
	s3 =	sadd.s32 s3, s5;
	[dreg:$0x0] =	wrdreg $0x0  }
0xa8: {  	s5 =	sshll.u32 s28, $0x1;
	[dreg:$0x2] =	wrdreg s3  }
0xa9: {  	[dreg:$0x3] =	wrdreg s5  }
0xaa: {  	[dreg:$0x4] =	wrdreg $0xC0  }
0xab: {  	_ =	task [dreg:s7], $0x5FFFF  }
0xac: {  	[dreg:$0x1] =	wrdreg $0xFFFFFFFF  }
0xad: {  	[dreg:$0x0] =	wrdreg $0x60  }
0xae: {  	[dreg:$0x2] =	wrdreg s24  }
0xaf: {  	[dreg:$0x3] =	wrdreg s2  }
0xb0: {  	[dreg:$0x4] =	wrdreg $0x75D00  }
0xb1: {  	[dreg:$0x5] =	wrdreg $0x9  }
0xb2: {  	_ =	task.clear_ibuf [dreg:s7], $0x6FFFF;
	_ =	strace $0x9000004C  }
0xb3: {  	s29 =	simm.s32 $0x9;
	_ =	strace $0x8000004E  }
0xb4: {  	_ =	swait.ge [sflag:s29], $0x1  }
0xb5: {  	[sflag:s29] =	ssyncadd.s32 $0xFFFFFFFF  }
0xb6: {  	_ =	strace $0x9000004E  }
0xb7: {  	_ =	sfence  }
0xb8: {  	s30 =	sld [smem:$0x0];
	_ =	sdelay $0x2  }
0xb9: {  	s31 =	sshll.u32 s1, $0xD;
	s1 =	sshrl.u32 s1, $0x2  }
0xba: {  	s3 =	sand.u32 $0x4000, s31;
	s1 =	sadd.s32 s1, s30  }
0xbb: {  	s0 =	sor.u32 s3, s0;
	s1 =	sshll.u32 s1, $0x11  }
0xbc: {  	s0 =	sor.u32 s1, s0  }
0xbd: {  	s0 =	sadd.s32 $0x8F2B, s0  }
0xbe: {  	[sflag:s0] =	ssyncadd.remote.s32 $0x1  }
0xbf: {  	_ =	sfence.sel $0xFFFF  }
0xc0: {  	[dreg:$0x0] =	wrdreg $0xFFFFFFFF;
	(pc) =	sbr.abs _section_cstart, $3  }
0xc1: {  	[dreg:$0x1] =	wrdreg $0xFFFFFFFF  }
0xc2: {  	_ =	task.clear_ibuf [dreg:s7], $0x2FFFF;
	_ =	strace $0x9FFFFFFF  }
0xc3: {  	(tm) =	ssettm $0x7FFFFFFF  }
tec
execute0_lowered:
.L_overlay_start_1:
0x0: {  	(tag) =	ssettag $0x1  }
0x1: {  	s6 =	rddreg [dreg:$0x0]  }
0x2: {  	s7 =	rddreg [dreg:$0x1];
	s1 =	srdreg.scid  }
0x3: {  	s0 =	stileid.u32;
	s2 =	rddreg [dreg:$0x2];
	s3 =	simm.s32 $0x0  }
0x4: {  	s17 =	simm.s32 $0x4ED0;
	s18 =	simm.s32 $0x6250;
	s19 =	simm.s32 $0x1  }
0x5: {  	s20 =	simm.s32 $0x2;
	s21 =	simm.s32 $0x4E68;
	s23 =	simm.s32 $0x0  }
0x6: {  	s5 =	sand.u32 $0x1, s1;
	s1 =	rddreg [dreg:$0x3];
	s9 =	smul.u32 $0x1DA00, s0  }
0x7: {  	s4 =	sshll.u32 s0, $0x1;
	[smem:$0x7FF] =	sst s3;
	s14 =	smul.u32 $0x7680, s0  }
0x8: {  	s15 =	sadd.s32 $0x28800, s6;
	s16 =	sadd.s32 $0x6F180, s2;
	p0 =	seq.s32 s0, $0xF  }
0x9: {  	s4 =	sor.u32 s5, s4;
	_ =	strace $0x8000004D;
	s12 =	smul.u32 $0x75300, s5  }
0xa: {  	s11 =	ssub.s32 $0x2, s5;
	s5 =	sadd.s32 $0x11000, s6;
	s8 =	smul.u32 $0x4ED, s4  }
0xb: {  	s4 =	sadd.s32 $0x2400, s6;
	s13 =	sshrl.u32 s11, $0x1;
	s28 =	sshrl.u32 s9, $0x2  }
0xc: {  	s22 =	sadd.s32 s14, s2;
	s11 =	ssub.s32 s11, s13;
	s13 =	sadd.s32 s28, s2  }
0xd: {  	s29 =	sadd.s32 s14, s12;
	s31 =	sshrl.u32 s12, $0x3;
	s12 =	sshll.u32 @!p0 s0, $0x6  }
0xe: {  	s14 =	simm.s32 $0x3;
	s22 =	sshrl.u32 @!p0 s22, $0x3;
	s10 =	sadd.s32 s8, s6  }
0xf: {  	s6 =	sadd.s32 s7, s8;
	s30 =	sshrl.u32 s29, $0x3;
	s9 =	sadd.s32 s15, s31  }
0x10: {  	s12 =	sor.u32 @!p0 $0x1C03, s12;
	s13 =	sshrl.u32 @!p0 s13, $0x3;
	s7 =	sadd.s32 $0x1EA00, s10  }
0x11: {  	s8 =	sadd.s32 s15, s30;
	s9 =	sadd.s32 $0xDE30, s9;
	s10 =	smax.u32 s11, $0x1  }
0x12: {  	s11 =	sshrl.u32 @p0 s16, $0x3;
	s15 =	simm.s32 $0x2768;
	s16 =	simm.s32 $0x68  }
.LBB2_1:
0x13: {  	s24 =	simm.s32 @p0 $0x1FC3  }
0x14: {  	[spmem:s11], [sflag:s24] =	dma.local @p0 [hbm:s5], $0xC30  }
0x15: {  	s24 =	simm.s32 @p0 $0x3  }
0x16: {  	_ =	swait.ge @p0 [sflag:s24], $0xC30  }
0x17: {  	[sflag:s24] =	ssyncset.done @p0 $0x0  }
0x18: {  	[sflag:s24] =	ssyncadd.s32 @p0 $0xFFFFF3D0;
	s24 =	simm.s32 @!p0 $0x3  }
0x19: {  	[spmem:s13], [sflag:s12] =	dma.local @!p0 [hbm:s5], $0xED0  }
0x1a: {  	_ =	swait.ge @!p0 [sflag:s24], $0xED0  }
0x1b: {  	[sflag:s24] =	ssyncset.done @!p0 $0x0  }
0x1c: {  	[sflag:s24] =	ssyncadd.s32 @!p0 $0xFFFFF130  }
0x1d: {  	[tilespmem:s3], [sflag:$0x3] =	stream.linear.gather [hbm4b:s6+s3], $0x2768, $0x38;
	[tilespmem:$0xEB18] =	vst v63  }
0x1e: {  	_ =	swait.ge [sflag:s14], $0x2768  }
0x1f: {  	[sflag:s14] =	ssyncset.done $0x0  }
0x20: {  	[sflag:s14] =	ssyncadd.s32 $0xFFFFD898  }
0x21: {  	[tilespmem:s15], [sflag:$0x3] =	stream.linear.gather [hbm4b:s7+s3], $0x2768, $0x38;
	[tilespmem:$0xEB18] =	vst v63  }
0x22: {  	_ =	swait.ge [sflag:s14], $0x2768  }
0x23: {  	[sflag:s14] =	ssyncset.done $0x0  }
0x24: {  	[sflag:s14] =	ssyncadd.s32 $0xFFFFD898  }
0x25: {  	[bflag:$0x0] =	sbarrier.arrive $0xFFFF  }
0x26: {  	[tilespmem:s17], [sflag:$0x1] =	stream.indirect.gather [hbm4b:s4+s16], $0x30, s3, s16, $0xb8;
	[tilespmem:$0xEB18] =	vst v63  }
0x27: {  	s28 =	simm.s32 $0x68  }
0x28: {  	[tilespmem:s18], [sflag:$0x2] =	stream.indirect.gather [hbm4b:s4+s16], $0x30, s28, s16, $0xb8;
	[tilespmem:$0xEB18] =	vst v63  }
0x29: {  	_ =	swait.ge [sflag:s19], $0x1380  }
0x2a: {  	[sflag:s19] =	ssyncset.done $0x0  }
0x2b: {  	s29 =	simm.s32 $0x2768;
	[sflag:s19] =	ssyncadd.s32 $0xFFFFEC80  }
0x2c: {  	[spmem:s2] =	stream.indirect.scatter.add.f32 [tilespmem:s17], [sflag:$0x3], $0x30, s29, s16, $0xb8;
	[tilespmem:$0xEB18] =	vst v63  }
0x2d: {  	_ =	swait.ge [sflag:s14], $0x1380  }
0x2e: {  	[sflag:s14] =	ssyncset.done $0x0  }
0x2f: {  	s30 =	simm.s32 $0xD0;
	[sflag:s14] =	ssyncadd.s32 $0xFFFFEC80  }
0x30: {  	[tilespmem:s17], [sflag:$0x1] =	stream.indirect.gather [hbm4b:s4+s16], $0x30, s30, s16, $0xb8;
	[tilespmem:$0xEB18] =	vst v63  }
0x31: {  	_ =	swait.ge [sflag:s20], $0x1380  }
0x32: {  	[sflag:s20] =	ssyncset.done $0x0  }
0x33: {  	s31 =	simm.s32 $0x27D0;
	[sflag:s20] =	ssyncadd.s32 $0xFFFFEC80  }
0x34: {  	[spmem:s2] =	stream.indirect.scatter.add.f32 [tilespmem:s18], [sflag:$0x3], $0x30, s31, s16, $0xb8;
	[tilespmem:$0xEB18] =	vst v63  }
0x35: {  	_ =	swait.ge [sflag:s14], $0x1380  }
0x36: {  	s25 =	simm.s32 $0x680;
	s24 =	simm.s32 $0xD0;
	[sflag:s14] =	ssyncset.done $0x0  }
.LBB2_2:
0x37: {  	s26 =	sadd.s32 $0x68, s24  }
0x38: {  	[sflag:s14] =	ssyncadd.s32 $0xFFFFEC80;
	s28 =	smov.u32 s25;
	s29 =	sadd.s32 $0x340, s25  }
0x39: {  	[tilespmem:s18], [sflag:$0x2] =	stream.indirect.gather [hbm4b:s4+s16], $0x30, s26, s16, $0xb8;
	[tilespmem:$0xEB18] =	vst v63  }
0x3a: {  	p1 =	sne.s32 s25, $0x98C0;
	_ =	swait.ge [sflag:s19], $0x1380  }
0x3b: {  	[sflag:s19] =	ssyncset.done $0x0  }
0x3c: {  	s25 =	sadd.s32 $0x2768, s24;
	[sflag:s19] =	ssyncadd.s32 $0xFFFFEC80  }
0x3d: {  	[spmem:s2] =	stream.indirect.scatter.add.f32 [tilespmem:s17], [sflag:$0x3], $0x30, s25, s16, $0xb8;
	[tilespmem:$0xEB18] =	vst v63  }
0x3e: {  	_ =	swait.ge [sflag:s14], $0x1380  }
0x3f: {  	[sflag:s14] =	ssyncset.done $0x0  }
0x40: {  	s25 =	sadd.s32 $0xD0, s24;
	[sflag:s14] =	ssyncadd.s32 $0xFFFFEC80  }
0x41: {  	[tilespmem:s17], [sflag:$0x1] =	stream.indirect.gather [hbm4b:s4+s16], $0x30, s25, s16, $0xb8;
	[tilespmem:$0xEB18] =	vst v63  }
0x42: {  	_ =	swait.ge [sflag:s20], $0x1380  }
.Ltmp0:
0x43: {  	[sflag:s20] =	ssyncset.done $0x0;
	(pc) =	sbr.rel @p1 .LBB2_2-.Ltmp0, $4  }
0x44: {  	s24 =	sadd.s32 $0x27D0, s24;
	[sflag:s20] =	ssyncadd.s32 $0xFFFFEC80  }
0x45: {  	[spmem:s2] =	stream.indirect.scatter.add.f32 [tilespmem:s18], [sflag:$0x3], $0x30, s24, s16, $0xb8;
	[tilespmem:$0xEB18] =	vst v63  }
0x46: {  	_ =	swait.ge [sflag:s14], $0x1380  }
0x47: {  	s25 =	smov.u32 s29;
	s24 =	sshra.s32 s28, $0x2;
	[sflag:s14] =	ssyncset.done $0x0  }
0x48: {  	s25 =	sadd.s32 $0x68, s24;
	[sflag:s14] =	ssyncadd.s32 $0xFFFFEC80  }
0x49: {  	[tilespmem:s18], [sflag:$0x2] =	stream.indirect.gather [hbm4b:s4+s16], $0x30, s25, s16, $0xb8;
	[tilespmem:$0xEB18] =	vst v63  }
0x4a: {  	_ =	swait.ge [sflag:s19], $0x1380  }
0x4b: {  	[sflag:s19] =	ssyncset.done $0x0  }
0x4c: {  	s29 =	sadd.s32 $0x2768, s24;
	[sflag:s19] =	ssyncadd.s32 $0xFFFFEC80  }
0x4d: {  	[spmem:s2] =	stream.indirect.scatter.add.f32 [tilespmem:s17], [sflag:$0x3], $0x30, s29, s16, $0xb8;
	[tilespmem:$0xEB18] =	vst v63  }
0x4e: {  	_ =	swait.ge [sflag:s14], $0x1380  }
0x4f: {  	[sflag:s14] =	ssyncset.done $0x0  }
0x50: {  	s30 =	sadd.s32 $0xD0, s24;
	[sflag:s14] =	ssyncadd.s32 $0xFFFFEC80  }
0x51: {  	[tilespmem:s17], [sflag:$0x1] =	stream.indirect.gather [hbm4b:s4+s16], $0x30, s30, s16, $0xb8;
	[tilespmem:$0xEB18] =	vst v63  }
0x52: {  	_ =	swait.ge [sflag:s20], $0x1380  }
0x53: {  	[sflag:s20] =	ssyncset.done $0x0  }
0x54: {  	s31 =	sadd.s32 $0x27D0, s24;
	[sflag:s20] =	ssyncadd.s32 $0xFFFFEC80  }
0x55: {  	[spmem:s2] =	stream.indirect.scatter.add.f32 [tilespmem:s18], [sflag:$0x3], $0x30, s31, s16, $0xb8;
	[tilespmem:$0xEB18] =	vst v63  }
0x56: {  	_ =	swait.ge [sflag:s14], $0x1380  }
0x57: {  	[sflag:s14] =	ssyncset.done $0x0  }
0x58: {  	[sflag:s14] =	ssyncadd.s32 $0xFFFFEC80  }
0x59: {  	_ =	swait.ge [sflag:s19], $0x1380  }
0x5a: {  	[sflag:s19] =	ssyncset.done $0x0  }
0x5b: {  	[sflag:s19] =	ssyncadd.s32 $0xFFFFEC80  }
0x5c: {  	[spmem:s2] =	stream.indirect.scatter.add.f32 [tilespmem:s17], [sflag:$0x3], $0x30, s21, s16, $0xb8;
	[tilespmem:$0xEB18] =	vst v63  }
0x5d: {  	_ =	swait.ge [sflag:s14], $0x1380  }
0x5e: {  	[sflag:s14] =	ssyncset.done $0x0  }
0x5f: {  	[sflag:s14] =	ssyncadd.s32 $0xFFFFEC80  }
0x60: {  	s24 =	simm.s32 @p0 $0x1FC3;
	[bflag:$0x0] =	sbarrier.arrive $0xFFFF  }
0x61: {  	[hbm:s9], [sflag:s24] =	dma.local @p0 [spmem:s11], $0xC30  }
0x62: {  	s24 =	simm.s32 @p0 $0x3  }
0x63: {  	s23 =	sadd.s32 $0x1, s23;
	_ =	swait.ge @p0 [sflag:s24], $0xC30  }
0x64: {  	p1 =	sne.s32 s23, s10;
	[sflag:s24] =	ssyncset.done @p0 $0x0  }
.Ltmp1:
0x65: {  	[sflag:s24] =	ssyncadd.s32 @p0 $0xFFFFF3D0;
	s24 =	simm.s32 @!p0 $0x3;
	(pc) =	sbr.rel @p1 .LBB2_1-.Ltmp1, $4  }
0x66: {  	[hbm:s8], [sflag:s12] =	dma.local @!p0 [spmem:s22], $0xED0  }
0x67: {  	_ =	swait.ge @!p0 [sflag:s24], $0xED0  }
0x68: {  	[sflag:s24] =	ssyncset.done @!p0 $0x0  }
0x69: {  	[sflag:s24] =	ssyncadd.s32 @!p0 $0xFFFFF130  }
0x6a: {  	_ =	sfence.sel $0x180000  }
0x6b: {  	[bflag:$0x0] =	sbarrier.arrive $0xFFFF  }
0x6c: {  	p0 =	sne.s32 s0, $0x0;
	_ =	strace $0x9000004D  }
0x6d: {  	s0 =	sadd.s32 @!p0 $0x100000, s1;
	[bflag:$0x2] =	sbarrier.arrive $0xFFFF  }
0x6e: {  	[sflag:s0] =	ssyncadd.tile.s32 @!p0 $0x1;
	_ =	shalt  }
.Lfunc_end2:
_tile_overlayer_lowered:
.L_overlay_start_2:
0x6f: {  	(tag) =	ssettag $0x2  }
0x70: {  	s0 =	rddreg [dreg:$0x0];
	s2 =	stileid.u32  }
0x71: {  	s1 =	rddreg [dreg:$0x1];
	p0 =	sne.s32 s2, $0x0  }
0x72: {  	s3 =	rddreg [dreg:$0x2];
	[bflag:$0x3] =	sbarrier.arrive $0xFFFF;
	s2 =	simm.s32 @!p0 $0x1C03  }
0x73: {  	[timem:s3], [sflag:s2] =	dma.local @!p0 [hbm:s0], s1  }
0x74: {  	s0 =	simm.s32 @!p0 $0x3  }
0x75: {  	_ =	swait.ge @!p0 [sflag:s0], s1  }
0x76: {  	s1 =	ssub.s32 @!p0 $0x0, s1;
	[sflag:s0] =	ssyncset.done @!p0 $0x0  }
0x77: {  	[sflag:s0] =	ssyncadd.s32 @!p0 s1  }
0x78: {  	[bflag:$0x3] =	sbarrier.arrive $0xFFFF  }
0x79: {  	_ =	shalt  }

// kernel: kernel.8.cloned.1.call-start
scs
__scs_entry_jumppad:
0x0: {  	(pc) =	sbr.rel $0x88, $3  }
0x1: {  	(tag) =	ssettag $0x0;
	lr =	simm.s32 $0x1  }
0x2: {  	[smem:$0x3F9B] =	sst lr;
	_ =	strace $0xD0000000  }
0x3: {  	_ = 	snop  }
0x4: {  	_ = 	snop  }
0x5: {  	_ = 	snop  }
0x6: {  	_ = 	snop  }
0x7: {  	_ = 	snop  }
__scs_overlays_trampoline_lowered:
0x8: {  	[smem:$0x3FAA] =	sst s0  }
0x9: {  	[smem:$0x3FAB] =	sst s1  }
0xa: {  	[smem:$0x3FAC] =	sst s2  }
0xb: {  	[smem:$0x3FAD] =	sst s3  }
0xc: {  	[smem:$0x3FAE] =	sst s4  }
0xd: {  	[smem:$0x3FAF] =	sst s5  }
0xe: {  	[smem:$0x3FB0] =	sst s6  }
0xf: {  	[smem:$0x3FB1] =	sst s7  }
0x10: {  	[smem:$0x3FB2] =	sst s8  }
0x11: {  	[smem:$0x3FB3] =	sst s9;
	s0 =	simm.s32 @!p0 $0x0  }
0x12: {  	s1 =	sld [smem:$0x3F99];
	s0 =	simm.s32 @p0 $0x1  }
0x13: {  	[smem:$0x3FB4] =	sst s0;
	s0 =	simm.s32 @!p1 $0x0  }
0x14: {  	s2 =	sld [smem:$0x3F98];
	s0 =	simm.s32 @p1 $0x1  }
0x15: {  	[smem:$0x3FB5] =	sst s0;
	s0 =	simm.s32 @!p2 $0x0  }
0x16: {  	s3 =	sld [smem:$0x3FDB];
	s0 =	simm.s32 @p2 $0x1  }
0x17: {  	s4 =	simm.s32 $0x1BF5;
	[smem:$0x3FB7] =	sst s0  }
0x18: {  	s0 =	sld [smem:$0x3F9A];
	_ =	swait.ge [sflag:s4], $0x0  }
0x19: {  	s7 =	sld [smem:$0x3F9B]  }
0x1a: {  	s8 =	sadd.s32 $0xFFFFE003, lr  }
0x1b: {  	s9 =	sadd.s32 $0xFFFFFEF7, lr;
	s5 =	simm.s32 $0xFFFFFFFF;
	p2 =	slt.u32 s8, $0xFFFFF086  }
0x1c: {  	p1 =	slt.u32 s9, $0xF7A;
	s5 =	simm.s32 @!p2 $0x0  }
0x1d: {  	s5 =	simm.s32 @p1 $0x1;
	p0 =	seq.s32 s7, s2  }
0x1e: {  	s7 =	smul.u32 @!p0 $0xF7A, s2;
	p2 =	seq.s32 @!p0 s5, $0x0  }
0x1f: {  	s9 =	smul.u32 $0xF7A, s1;
	s8 =	simm.s32 @!p0 $0x1BF5;
	p2 =	por !p2, p0  }
0x20: {  	[sflag:s8] =	ssyncset.s32 @!p0 $0xFFFFF086;
	s6 =	sadd.s32 @!p0 s3, s7;
	s7 =	simm.s32 @!p0 $0x108  }
0x21: {  	s3 =	sadd.s32 s3, s9;
	s6 =	sadd.s32 @!p0 $0x88, s6;
	s7 =	simm.s32 @p2 $0x1082  }
0x22: {  	[simem:s7], [sflag:s8] =	dma.local @!p0 [hbm:s6], $0xF7A  }
0x23: {  	s9 =	sor.u32 $0xD0000000, s2;
	s6 =	simm.s32 $0x108;
	_ =	swait.ge @!p0 [sflag:s8], $0x0  }
0x24: {  	s3 =	sadd.s32 $0x88, s3;
	s6 =	simm.s32 @!p1 $0x1082;
	[sflag:s4] =	ssyncset.s32 $0xFFFFF086  }
0x25: {  	[simem:s6], [sflag:s4] =	dma.local [hbm:s3], $0xF7A  }
0x26: {  	[smem:$0x3F9B] =	sst s1;
	(tag) =	ssettag s2;
	_ =	strace s9  }
0x27: {  	s1 =	sld [smem:$0x3FAB]  }
0x28: {  	s2 =	sld [smem:$0x3FAC]  }
0x29: {  	s4 =	sld [smem:$0x3FAE]  }
0x2a: {  	p0 =	seq.s32 s5, $0x0;
	s5 =	sld [smem:$0x3FAF]  }
0x2b: {  	s6 =	sld [smem:$0x3FB0]  }
0x2c: {  	s7 =	sld [smem:$0x3FB1]  }
0x2d: {  	s3 =	simm.s32 $0x108;
	s8 =	sld [smem:$0x3FB2]  }
0x2e: {  	s3 =	simm.s32 @!p0 $0x1082;
	s9 =	sld [smem:$0x3FB3]  }
0x2f: {  	lr =	sadd.s32 s0, s3;
	s0 =	sld [smem:$0x3FAA]  }
0x30: {  	s3 =	sld [smem:$0x3FAD]  }
0x31: {  	[smem:$0x3FB6] =	sst s10  }
0x32: {  	s10 =	sld [smem:$0x3FB4];
	_ =	sdelay $0x3  }
0x33: {  	p0 =	seq.s32 s10, $0x1;
	s10 =	sld [smem:$0x3FB6];
	_ =	sdelay $0x3  }
0x34: {  	[smem:$0x3FB6] =	sst s10  }
0x35: {  	s10 =	sld [smem:$0x3FB5];
	_ =	sdelay $0x3  }
0x36: {  	p1 =	seq.s32 s10, $0x1;
	s10 =	sld [smem:$0x3FB6];
	_ =	sdelay $0x3  }
0x37: {  	[smem:$0x3FB6] =	sst s10  }
0x38: {  	s10 =	sld [smem:$0x3FB7]  }
0x39: {  	_ = 	snop;
	(pc) =	sbr.ind lr, $3  }
0x3a: {  	_ = 	snop  }
0x3b: {  	_ = 	snop  }
0x3c: {  	p2 =	seq.s32 s10, $0x1;
	s10 =	sld [smem:$0x3FB6]  }
0x3d: {  	_ =	shalt  }
0x3e: {  	_ =	shalt  }
0x3f: {  	_ =	shalt  }
0x40: {  	_ =	shalt  }
0x41: {  	_ =	shalt  }
0x42: {  	_ =	shalt  }
0x43: {  	_ =	shalt  }
0x44: {  	_ =	shalt  }
0x45: {  	_ =	shalt  }
0x46: {  	_ =	shalt  }
0x47: {  	_ =	shalt  }
0x48: {  	_ =	shalt  }
0x49: {  	_ =	shalt  }
0x4a: {  	_ =	shalt  }
0x4b: {  	_ =	shalt  }
0x4c: {  	_ =	shalt  }
0x4d: {  	_ =	shalt  }
0x4e: {  	_ =	shalt  }
0x4f: {  	_ =	shalt  }
0x50: {  	_ =	shalt  }
0x51: {  	_ =	shalt  }
0x52: {  	_ =	shalt  }
0x53: {  	_ =	shalt  }
0x54: {  	_ =	shalt  }
0x55: {  	_ =	shalt  }
0x56: {  	_ =	shalt  }
0x57: {  	_ =	shalt  }
0x58: {  	_ =	shalt  }
0x59: {  	_ =	shalt  }
0x5a: {  	_ =	shalt  }
0x5b: {  	_ =	shalt  }
0x5c: {  	_ =	shalt  }
0x5d: {  	_ =	shalt  }
0x5e: {  	_ =	shalt  }
0x5f: {  	_ =	shalt  }
0x60: {  	_ =	shalt  }
0x61: {  	_ =	shalt  }
0x62: {  	_ =	shalt  }
0x63: {  	_ =	shalt  }
0x64: {  	_ =	shalt  }
0x65: {  	_ =	shalt  }
0x66: {  	_ =	shalt  }
0x67: {  	_ =	shalt  }
0x68: {  	_ =	shalt  }
0x69: {  	_ =	shalt  }
0x6a: {  	_ =	shalt  }
0x6b: {  	_ =	shalt  }
0x6c: {  	_ =	shalt  }
0x6d: {  	_ =	shalt  }
0x6e: {  	_ =	shalt  }
0x6f: {  	_ =	shalt  }
0x70: {  	_ =	shalt  }
0x71: {  	_ =	shalt  }
0x72: {  	_ =	shalt  }
0x73: {  	_ =	shalt  }
0x74: {  	_ =	shalt  }
0x75: {  	_ =	shalt  }
0x76: {  	_ =	shalt  }
0x77: {  	_ =	shalt  }
0x78: {  	_ =	shalt  }
0x79: {  	_ =	shalt  }
0x7a: {  	_ =	shalt  }
0x7b: {  	_ =	shalt  }
0x7c: {  	_ =	shalt  }
0x7d: {  	_ =	shalt  }
0x7e: {  	_ =	shalt  }
0x7f: {  	_ =	shalt  }
0x80: {  	_ =	shalt  }
0x81: {  	_ =	shalt  }
0x82: {  	_ =	shalt  }
0x83: {  	_ =	shalt  }
0x84: {  	_ =	shalt  }
0x85: {  	_ =	shalt  }
0x86: {  	_ =	shalt  }
0x87: {  	_ =	shalt  }
.Lfunc_end0:
.L_simem_size_0:
called_computation_lowered:
.L_overlay_start_0:
0x88: {  	s2 =	sld [smem:$0x3FD9]  }
0x89: {  	s3 =	sld [smem:$0x3FFE];
	_ =	sdelay $0x1  }
0x8a: {  	s1 =	srdreg.scid  }
0x8b: {  	s0 =	sand.u32 $0x1, s1  }
0x8c: {  	s16 =	sshll.u32 s0, $0xA;
	s2 =	sadd.s32 s3, s2  }
0x8d: {  	s2 =	sadd.s32 s2, s16  }
0x8e: {  	[smem:$0x3FC2] =	sst s2  }
0x8f: {  	_ = 	snop  }
0x90: {  	(tm) =	ssettm $0x1  }
0x91: {  	s17 =	sld [smem:$0x3FFB];
	_ =	sdelay $0x3  }
0x92: {  	_ =	strace s17  }
0x93: {  	s2 =	sld [smem:$0x3FFC];
	_ =	sdelay $0x3  }
0x94: {  	_ =	strace s2  }
0x95: {  	s2 =	sld [smem:$0x3FFD];
	_ =	sdelay $0x3  }
0x96: {  	_ =	strace s2  }
0x97: {  	_ =	strace $0x8FFFFFFF  }
0x98: {  	s18 =	sld [smem:$0x3FDB];
	_ =	sdelay $0x1  }
0x99: {  	s19 =	simm.s32 $_scs_section_size  }
0x9a: {  	s4 =	simm.s32 $_size__tile_overlayer_lowered;
	s5 =	simm.s32 $_tile_overlayer_lowered  }
0x9b: {  	s22 =	simm.s32 $0x1BFF;
	s21 =	sshll.u32 s5, $0x1;
	s2 =	sadd.s32 s19, s18  }
0x9c: {  	s6 =	simm.s32 $0x0;
	s20 =	sshll.u32 s4, $0x1;
	s4 =	sadd.s32 s21, s2  }
0x9d: {  	[timem:s6], [sflag:s22] =	dma.local [hbm:s4], s20  }
0x9e: {  	_ =	swait.ge [sflag:s22], s20  }
0x9f: {  	s3 =	ssub.s32 $0x0, s20;
	[sflag:s22] =	ssyncset.done $0x0  }
0xa0: {  	[sflag:s22] =	ssyncadd.s32 s3;
	_ =	sdelay $0x1  }
0xa1: {  	s23 =	simm.s32 $0x1B8B  }
0xa2: {  	_ =	swait.ge [sflag:s23], $0x1  }
0xa3: {  	[sflag:s23] =	ssyncset.done $0x0  }
0xa4: {  	s25 =	simm.s32 $0x1B8E;
	s24 =	sld [smem:$0x3FFE];
	[sflag:s23] =	ssyncadd.s32 $0xFFFFFFFF  }
0xa5: {  	s26 =	simm.s32 $execute0_lowered;
	[smem:$0x3FD2] =	sst s25  }
0xa6: {  	s4 =	sshll.u32 s26, $0x1;
	_ =	strace $0x80000046;
	[dreg:$0x1] =	wrdreg $0xFFFFFFFF  }
0xa7: {  	s28 =	simm.s32 $_size_execute0_lowered;
	s2 =	sadd.s32 s2, s4;
	[dreg:$0x0] =	wrdreg $0x0  }
0xa8: {  	s4 =	sshll.u32 s28, $0x1;
	[dreg:$0x2] =	wrdreg s2  }
0xa9: {  	[dreg:$0x3] =	wrdreg s4  }
0xaa: {  	[dreg:$0x4] =	wrdreg $0xC0  }
0xab: {  	_ =	task [dreg:s6], $0x5FFFF  }
0xac: {  	[dreg:$0x1] =	wrdreg $0xFFFFFFFF  }
0xad: {  	[dreg:$0x0] =	wrdreg $0x60  }
0xae: {  	[dreg:$0x2] =	wrdreg s24  }
0xaf: {  	[dreg:$0x3] =	wrdreg $0x9  }
0xb0: {  	_ =	task.clear_ibuf [dreg:s6], $0x4FFFF;
	_ =	strace $0x90000046  }
0xb1: {  	s29 =	simm.s32 $0x9;
	_ =	strace $0x80000048  }
0xb2: {  	_ =	swait.ge [sflag:s29], $0x1  }
0xb3: {  	[sflag:s29] =	ssyncadd.s32 $0xFFFFFFFF  }
0xb4: {  	_ =	strace $0x90000048  }
0xb5: {  	_ =	sfence  }
0xb6: {  	s30 =	sld [smem:$0x0];
	_ =	sdelay $0x2  }
0xb7: {  	s31 =	sshll.u32 s1, $0xD;
	s1 =	sshrl.u32 s1, $0x2  }
0xb8: {  	s3 =	sand.u32 $0x4000, s31;
	s1 =	sadd.s32 s1, s30  }
0xb9: {  	s0 =	sor.u32 s3, s0;
	s1 =	sshll.u32 s1, $0x11  }
0xba: {  	s0 =	sor.u32 s1, s0  }
0xbb: {  	s0 =	sadd.s32 $0x8F2B, s0  }
0xbc: {  	[sflag:s0] =	ssyncadd.remote.s32 $0x1  }
0xbd: {  	_ =	sfence.sel $0xFFFF  }
0xbe: {  	[dreg:$0x0] =	wrdreg $0xFFFFFFFF;
	(pc) =	sbr.abs _section_cstart, $3  }
0xbf: {  	[dreg:$0x1] =	wrdreg $0xFFFFFFFF  }
0xc0: {  	_ =	task.clear_ibuf [dreg:s6], $0x2FFFF;
	_ =	strace $0x9FFFFFFF  }
0xc1: {  	(tm) =	ssettm $0x7FFFFFFF  }
tec
execute0_lowered:
.L_overlay_start_1:
0x0: {  	(tag) =	ssettag $0x1  }
0x1: {  	s1 =	srdreg.scid;
	s0 =	stileid.u32  }
0x2: {  	s3 =	rddreg [dreg:$0x0];
	s2 =	simm.s32 $0x0;
	s8 =	simm.s32 $0x0  }
0x3: {  	s4 =	sand.u32 $0x1, s1;
	s5 =	sshll.u32 s0, $0x1;
	s1 =	rddreg [dreg:$0x1]  }
0x4: {  	[smem:$0x7FF] =	sst s2;
	s5 =	sor.u32 s4, s5;
	s4 =	ssub.s32 $0x2, s4  }
0x5: {  	s6 =	smul.u32 $0x4E2, s5;
	s5 =	sshll.u32 s5, $0xB;
	s7 =	sshrl.u32 s4, $0x1  }
0x6: {  	_ =	strace $0x80000047;
	s5 =	sadd.s32 s5, s3;
	s7 =	ssub.s32 s4, s7  }
0x7: {  	s6 =	sadd.s32 s6, s3;
	s3 =	sadd.s32 $0x2400, s5;
	s5 =	smax.u32 s7, $0x1  }
0x8: {  	v0 =	vimm.f32 $0.0e+00;
	v1 =	vimm.f32 $1.000000000e+00;
	s7 =	simm.s32 $0x4000;
	s4 =	sadd.s32 $0x14C00, s6;
	s6 =	simm.s32 $0x1  }
.LBB2_1:
0x9: {  	s9 =	simm.s32 $0x40;
	s10 =	simm.s32 $0x0  }
.LBB2_2:
0xa: {  	p0 =	sne.s32 s9, $0x9C00;
	[tilespmem:s10+$0x4000] =	vst v0;
	s10 =	smov.u32 s9;
	s9 =	sadd.s32 $0x40, s9  }
.Ltmp0:
0xb: {  	(pc) =	sbr.rel @p0 .LBB2_2-.Ltmp0, $2  }
0xc: {  	_ =	sdelay $0x2  }
0xd: {  	s10 =	sshra.s32 s10, $0x2  }
0xe: {  	[tilespmem:s10+$0x4000] =	vst v0  }
0xf: {  	[tilespmem:s2], [sflag:$0x1] =	stream.linear.gather [hbm4b:s3+s2], $0x3E80, $0x38;
	[tilespmem:$0x6780] =	vst v63  }
0x10: {  	_ =	swait.ge [sflag:s6], $0x3E80  }
0x11: {  	[sflag:s6] =	ssyncset.done $0x0  }
0x12: {  	s9 =	simm.s32 $0x100;
	[sflag:s6] =	ssyncadd.s32 $0xFFFFC180  }
.LBB2_4:
0x13: {  	s10 =	sshra.s32 s9, $0x2  }
0x14: {  	v2 =	vld [tilespmem:s10+$0xFFFFFFC0];
	_ =	sdelay $0x7  }
0x15: {  	[tilespmem:v2+s7+$0x0] =	vst.idx.add.f32.msk $0xffff, v1  }
0x16: {  	v2 =	vld [tilespmem:s10+$0xFFFFFFD0];
	_ =	sdelay $0x7  }
0x17: {  	[tilespmem:v2+s7+$0x0] =	vst.idx.add.f32.msk $0xffff, v1  }
0x18: {  	v2 =	vld [tilespmem:s10+$0xFFFFFFE0];
	_ =	sdelay $0x7  }
0x19: {  	[tilespmem:v2+s7+$0x0] =	vst.idx.add.f32.msk $0xffff, v1  }
0x1a: {  	v2 =	vld [tilespmem:s10+$0xFFFFFFF0];
	_ =	sdelay $0x7  }
0x1b: {  	[tilespmem:v2+s7+$0x0] =	vst.idx.add.f32.msk $0xffff, v1  }
0x1c: {  	v2 =	vld [tilespmem:s10+$0x0];
	_ =	sdelay $0x2  }
0x1d: {  	p0 =	sne.s32 s9, $0xF900  }
.Ltmp1:
0x1e: {  	_ = 	snop;
	(pc) =	sbr.rel @p0 .LBB2_4-.Ltmp1, $2  }
0x1f: {  	_ =	sdelay $0x2  }
0x20: {  	s9 =	sadd.s32 $0x200, s9;
	[tilespmem:v2+s7+$0x0] =	vst.idx.add.f32.msk $0xffff, v1  }
0x21: {  	s8 =	sadd.s32 $0x1, s8  }
0x22: {  	p0 =	sne.s32 s8, s5  }
.Ltmp2:
0x23: {  	_ = 	snop;
	(pc) =	sbr.rel @p0 .LBB2_1-.Ltmp2, $4  }
0x24: {  	[hbm4b:s4+s2] =	stream.linear.scatter [tilespmem:s7], [sflag:$0x1], $0x2710, $0x38;
	[tilespmem:$0x6780] =	vst v63  }
0x25: {  	_ =	swait.ge [sflag:s6], $0x2710  }
0x26: {  	[sflag:s6] =	ssyncset.done $0x0  }
0x27: {  	[sflag:s6] =	ssyncadd.s32 $0xFFFFD8F0  }
0x28: {  	_ =	sfence.sel $0x180000  }
0x29: {  	[bflag:$0x0] =	sbarrier.arrive $0xFFFF  }
0x2a: {  	p0 =	sne.s32 s0, $0x0;
	_ =	strace $0x90000047  }
0x2b: {  	s0 =	sadd.s32 @!p0 $0x100000, s1;
	[bflag:$0x2] =	sbarrier.arrive $0xFFFF  }
0x2c: {  	[sflag:s0] =	ssyncadd.tile.s32 @!p0 $0x1;
	_ =	shalt  }
.Lfunc_end2:
_tile_overlayer_lowered:
.L_overlay_start_2:
0x2d: {  	(tag) =	ssettag $0x2  }
0x2e: {  	s0 =	rddreg [dreg:$0x0];
	s2 =	stileid.u32  }
0x2f: {  	s1 =	rddreg [dreg:$0x1];
	p0 =	sne.s32 s2, $0x0  }
0x30: {  	s3 =	rddreg [dreg:$0x2];
	[bflag:$0x3] =	sbarrier.arrive $0xFFFF;
	s2 =	simm.s32 @!p0 $0x1C01  }
0x31: {  	[timem:s3], [sflag:s2] =	dma.local @!p0 [hbm:s0], s1  }
0x32: {  	s0 =	simm.s32 @!p0 $0x1  }
0x33: {  	_ =	swait.ge @!p0 [sflag:s0], s1  }
0x34: {  	s1 =	ssub.s32 @!p0 $0x0, s1;
	[sflag:s0] =	ssyncset.done @!p0 $0x0  }
0x35: {  	[sflag:s0] =	ssyncadd.s32 @!p0 s1  }
0x36: {  	[bflag:$0x3] =	sbarrier.arrive $0xFFFF  }
0x37: {  	_ =	shalt  }

</sc_bundles>
